<compile_context>
chip_gen: v7x
topology: tpu7x:2x2x1
jax: 0.10.2.dev20260603
libtpu: 0.0.44.dev20260713+nightly
codegen_flags: <defaults>
</compile_context>

<pallas_src>
import jax
import jax.numpy as jnp
from jax import lax
from jax.experimental import pallas as pl
from jax.experimental.pallas import tpu as pltpu
from jax.experimental.pallas import tpu_sc as plsc

B = 16384
DIM = 16
EPS = 1e-6

_NC = 2
_NS = 16
_NW = _NC * _NS
_BPW = B // _NW
_G = 16
_NG = _BPW // _G
_CH = 128
_R = B // _CH


def _sc_body(idx1_hbm, idx2_hbm, t1_hbm, t2_hbm, out_hbm,
             idx1_v, idx2_v, buf1_v, buf2_v,
             out_v, sem, sem2):
    c = lax.axis_index("c")
    s = lax.axis_index("s")
    wid = s * _NC + c
    base = wid * _BPW

    cp3 = pltpu.async_copy(idx1_hbm.at[pl.ds(base, _BPW)], idx1_v, sem2)
    cp4 = pltpu.async_copy(idx2_hbm.at[pl.ds(base, _BPW)], idx2_v, sem2)
    cp3.wait()
    cp4.wait()

    lanes = lax.iota(jnp.int32, 16)

    @pl.loop(0, _NG)
    def _group(g):
        r0 = g * _G
        sl = pl.ds(r0, _G)
        iv1 = idx1_v[sl]
        iv2 = idx2_v[sl]
        cv1 = (iv1 >> 7) * 128
        cv2 = (iv2 >> 7) * 128
        copies = []
        for l in range(_G):
            c1 = pl.multiple_of(cv1[l], 128)
            c2 = pl.multiple_of(cv2[l], 128)
            copies.append(pltpu.async_copy(
                t1_hbm.at[:, pl.ds(c1, 128)], buf1_v.at[l], sem))
            copies.append(pltpu.async_copy(
                t2_hbm.at[:, pl.ds(c2, 128)], buf2_v.at[l], sem))
        for cp in copies:
            cp.wait()

        out_v[sl] = cv1.astype(jnp.float32)

    pltpu.sync_copy(out_v, out_hbm.at[pl.ds(base, _BPW)])


def _logsigmoid_cos(dot, s1, s2):
    p = s1 * s2
    i = plsc.bitcast(p, jnp.int32)
    y = plsc.bitcast(jnp.int32(0x5F3759DF) - (i >> 1), jnp.float32)
    for _ in range(3):
        y = y * (1.5 - 0.5 * p * y * y)
    den = jnp.maximum(p * y, EPS)
    cos = dot / den
    x = 100.0 * cos
    u = jnp.exp(-jnp.abs(x))
    yy = 1.0 + u
    bits = plsc.bitcast(yy, jnp.int32).astype(jnp.float32)
    z = (bits * (2.0 ** -23) - 127.0) * 0.6931471805599453
    for _ in range(3):
        z = z - 1.0 + yy * jnp.exp(-z)
    return jnp.minimum(x, 0.0) - z


_sc_reduce = pl.kernel(
    _sc_body,
    out_type=jax.ShapeDtypeStruct((B,), jnp.float32),
    mesh=plsc.VectorSubcoreMesh(core_axis_name="c", subcore_axis_name="s"),
    compiler_params=pltpu.CompilerParams(needs_layout_passes=False),
    scratch_types=[
        pltpu.VMEM((_BPW,), jnp.int32),
        pltpu.VMEM((_BPW,), jnp.int32),
        pltpu.VMEM((_G, DIM, _CH), jnp.float32),
        pltpu.VMEM((_G, DIM, _CH), jnp.float32),
        pltpu.VMEM((_BPW,), jnp.float32),
        pltpu.SemaphoreType.DMA,
        pltpu.SemaphoreType.DMA,
    ],
)


def kernel(idx1, idx2, emb1, emb2, table1, table2):
    del emb1, emb2
    return _sc_reduce(idx1, idx2, table1.T, table2.T)

# --- scband reference (transcript-rebuilt; emitter-appended) ---
"""Pipeline reference for scband-cosine-63015760167129 (READ-ONLY COPY).

The authoritative reference and input builder live on the scoring server;
editing this copy changes nothing except your own understanding.
"""

import jax, jax.numpy as jnp
import numpy as np

B = 16384
N = 1000000
DIM = 16
EPS = 1e-06

def setup_inputs(seed: int = 0) -> dict:
    key = jax.random.key(seed)
    k1, k2, k3, k4, k5, k6 = jax.random.split(key, 6)
    idx1 = jax.random.randint(k1, (B,), 0, N, dtype=jnp.int64 if jax.config.jax_enable_x64 else jnp.int32).astype(jnp.int32)
    idx2 = jax.random.randint(k2, (B,), 0, N, dtype=jnp.int64 if jax.config.jax_enable_x64 else jnp.int32).astype(jnp.int32)
    emb1 = jax.random.normal(k3, (B, DIM), dtype=jnp.float32)
    emb2 = jax.random.normal(k4, (B, DIM), dtype=jnp.float32)
    # learned parameters: two embedding tables, torch.nn.Embedding default init = N(0, 1)
    table1 = jax.random.normal(k5, (N, DIM), dtype=jnp.float32)
    table2 = jax.random.normal(k6, (N, DIM), dtype=jnp.float32)
    return {"idx1": idx1, "idx2": idx2, "emb1": emb1, "emb2": emb2, "table1": table1, "table2": table2}

def reference(idx1, idx2, emb1, emb2, table1, table2):
    # forward overwrites the passed-in emb1/emb2 with fresh lookups (faithful to torch module)
    e1 = jnp.take(table1, idx1, axis=0)
    e2 = jnp.take(table2, idx2, axis=0)
    dot = jnp.sum(e1 * e2, axis=-1)
    n1 = jnp.sqrt(jnp.sum(e1 * e1, axis=-1))
    n2 = jnp.sqrt(jnp.sum(e2 * e2, axis=-1))
    # torch.nn.CosineSimilarity: x1.x2 / max(||x1||*||x2||, eps)
    cos = dot / jnp.maximum(n1 * n2, EPS)
    return jax.nn.log_sigmoid(100.0 * cos)

if __name__ == "__main__":
    import jax
    _d = setup_inputs()
    print(jax.jit(kernel)(*tuple(_d.values())))

</pallas_src>

<mosaic_0001>
#map = affine_map<(d0, d1) -> (0)>
#map1 = affine_map<(d0, d1) -> (0, 0)>
module attributes {stable_mosaic.version = 14 : i64} {
  func.func @_sc_body(%arg0: i32, %arg1: i32, %arg2: memref<16384xi32, #tpu.memory_space<hbm>>, %arg3: memref<16384xi32, #tpu.memory_space<hbm>>, %arg4: memref<16x1000000xf32, #tpu.memory_space<hbm>>, %arg5: memref<16x1000000xf32, #tpu.memory_space<hbm>>, %arg6: memref<16384xf32, #tpu.memory_space<hbm>>, %arg7: memref<512xi32, #tpu.memory_space<vmem>>, %arg8: memref<512xi32, #tpu.memory_space<vmem>>, %arg9: memref<16x16x128xf32, #tpu.memory_space<vmem>>, %arg10: memref<16x16x128xf32, #tpu.memory_space<vmem>>, %arg11: memref<512xf32, #tpu.memory_space<vmem>>, %arg12: memref<!tpu.dma_semaphore, #tpu.memory_space<semaphore_mem>>, %arg13: memref<!tpu.dma_semaphore, #tpu.memory_space<semaphore_mem>>) attributes {dimension_semantics = [#tpu.dimension_semantics<core_parallel>, #tpu.dimension_semantics<subcore_parallel>], iteration_bounds = array<i64: 2, 16>, scalar_prefetch = 0 : i64, scratch_operands = 7 : i64, tpu.core_type = #tpu.core_type<sc_vector_subcore>, window_params = [{transform_indices = #map}, {transform_indices = #map}, {transform_indices = #map1}, {transform_indices = #map1}, {transform_indices = #map}]} {
    %mul3A = arith.constant 2 : i32
    %mul3A_0 = arith.muli %arg1, %mul3A : i32
    %add3A = arith.addi %mul3A_0, %arg0 : i32
    %mul3A_1 = arith.constant 512 : i32
    %mul3A_2 = arith.muli %add3A, %mul3A_1 : i32
    %dma_start3A = tpu.memref_slice %arg2[%mul3A_2] : memref<16384xi32, #tpu.memory_space<hbm>> -> memref<512xi32, #tpu.memory_space<hbm>>
    %dma_start3A_3 = tpu.memref_slice %arg2[%mul3A_2] : memref<16384xi32, #tpu.memory_space<hbm>> -> memref<512xi32, #tpu.memory_space<hbm>>
    tpu.enqueue_dma source(%dma_start3A_3 : memref<512xi32, #tpu.memory_space<hbm>>) target(%arg7 : memref<512xi32, #tpu.memory_space<vmem>>) target_semaphore(%arg13 : memref<!tpu.dma_semaphore, #tpu.memory_space<semaphore_mem>>)
    %dma_start3A_4 = tpu.memref_slice %arg3[%mul3A_2] : memref<16384xi32, #tpu.memory_space<hbm>> -> memref<512xi32, #tpu.memory_space<hbm>>
    %dma_start3A_5 = tpu.memref_slice %arg3[%mul3A_2] : memref<16384xi32, #tpu.memory_space<hbm>> -> memref<512xi32, #tpu.memory_space<hbm>>
    tpu.enqueue_dma source(%dma_start3A_5 : memref<512xi32, #tpu.memory_space<hbm>>) target(%arg8 : memref<512xi32, #tpu.memory_space<vmem>>) target_semaphore(%arg13 : memref<!tpu.dma_semaphore, #tpu.memory_space<semaphore_mem>>)
    %dma_wait3A = tpu.memref_slice %arg2[%mul3A_2] : memref<16384xi32, #tpu.memory_space<hbm>> -> memref<512xi32, #tpu.memory_space<hbm>>
    %dma_wait3A_6 = tpu.memref_slice %arg2[%mul3A_2] : memref<16384xi32, #tpu.memory_space<hbm>> -> memref<512xi32, #tpu.memory_space<hbm>>
    tpu.wait_dma2 semaphore(%arg13 : memref<!tpu.dma_semaphore, #tpu.memory_space<semaphore_mem>>) src(%dma_wait3A_6 : memref<512xi32, #tpu.memory_space<hbm>>) dst(%arg7 : memref<512xi32, #tpu.memory_space<vmem>>)
    %dma_wait3A_7 = tpu.memref_slice %arg3[%mul3A_2] : memref<16384xi32, #tpu.memory_space<hbm>> -> memref<512xi32, #tpu.memory_space<hbm>>
    %dma_wait3A_8 = tpu.memref_slice %arg3[%mul3A_2] : memref<16384xi32, #tpu.memory_space<hbm>> -> memref<512xi32, #tpu.memory_space<hbm>>
    tpu.wait_dma2 semaphore(%arg13 : memref<!tpu.dma_semaphore, #tpu.memory_space<semaphore_mem>>) src(%dma_wait3A_8 : memref<512xi32, #tpu.memory_space<hbm>>) dst(%arg8 : memref<512xi32, #tpu.memory_space<vmem>>)
    %iota3A = tpu.iota {dimensions = array<i32: 0>} : vector<16xi32>
    %scan3A = arith.constant 0 : i32
    %scan3A_9 = arith.constant 32 : i32
    %scan3A_10 = arith.addi %scan3A, %scan3A_9 : i32
    %scan3A_11 = arith.constant 1 : i32
    scf.for %scan3A_13 = %scan3A to %scan3A_10 step %scan3A_11  : i32 {
      %mul3A_14 = arith.constant 1 : i32
      %mul3A_15 = arith.muli %scan3A_13, %mul3A_14 : i32
      %add3A_16 = arith.constant 0 : i32
      %add3A_17 = arith.addi %add3A_16, %mul3A_15 : i32
      %mul3A_18 = arith.constant 16 : i32
      %mul3A_19 = arith.muli %add3A_17, %mul3A_18 : i32
      %get3A = arith.index_cast %mul3A_19 : i32 to index
      %get3A_20 = tpu.vector_load %arg7[%get3A] {strides = array<i32>} : memref<512xi32, #tpu.memory_space<vmem>>, vector<16xi32>,
      %get3A_21 = arith.index_cast %mul3A_19 : i32 to index
      %get3A_22 = tpu.vector_load %arg8[%get3A_21] {strides = array<i32>} : memref<512xi32, #tpu.memory_space<vmem>>, vector<16xi32>,
      %shift_right_arithmetic3A = arith.constant 7 : i32
      %shift_right_arithmetic3A_23 = vector.broadcast %shift_right_arithmetic3A : i32 to vector<16xi32>
      %shift_right_arithmetic3A_24 = arith.shrsi %get3A_20, %shift_right_arithmetic3A_23 : vector<16xi32>
      %mul3A_25 = arith.constant 128 : i32
      %mul3A_26 = vector.broadcast %mul3A_25 : i32 to vector<16xi32>
      %mul3A_27 = arith.muli %shift_right_arithmetic3A_24, %mul3A_26 : vector<16xi32>
      %shift_right_arithmetic3A_28 = arith.constant 7 : i32
      %shift_right_arithmetic3A_29 = vector.broadcast %shift_right_arithmetic3A_28 : i32 to vector<16xi32>
      %shift_right_arithmetic3A_30 = arith.shrsi %get3A_22, %shift_right_arithmetic3A_29 : vector<16xi32>
      %mul3A_31 = arith.constant 128 : i32
      %mul3A_32 = vector.broadcast %mul3A_31 : i32 to vector<16xi32>
      %mul3A_33 = arith.muli %shift_right_arithmetic3A_30, %mul3A_32 : vector<16xi32>
      %slice3A = vector.extract_strided_slice %mul3A_27 {offsets = [0], sizes = [1], strides = [1]} : vector<16xi32> to vector<1xi32>
      %squeeze3A = vector.extract %slice3A[0] : i32 from vector<1xi32>
      %multiple_of3A = tpu.assume_multiple %squeeze3A, 128 : i32
      %slice3A_34 = vector.extract_strided_slice %mul3A_33 {offsets = [0], sizes = [1], strides = [1]} : vector<16xi32> to vector<1xi32>
      %squeeze3A_35 = vector.extract %slice3A_34[0] : i32 from vector<1xi32>
      %multiple_of3A_36 = tpu.assume_multiple %squeeze3A_35, 128 : i32
      %dma_start3A_37 = arith.constant 0 : i32
      %dma_start3A_38 = arith.constant 0 : i32
      %dma_start3A_39 = arith.constant 0 : i32
      %dma_start3A_40 = tpu.memref_slice %arg9[%dma_start3A_37, %dma_start3A_38, %dma_start3A_39] : memref<16x16x128xf32, #tpu.memory_space<vmem>> -> memref<1x16x128xf32, #tpu.memory_space<vmem>>
      %dma_start3A_41 = tpu.memref_squeeze %dma_start3A_40 : memref<1x16x128xf32, #tpu.memory_space<vmem>> -> memref<16x128xf32, #tpu.memory_space<vmem>>
      %dma_start3A_42 = arith.constant 0 : i32
      %dma_start3A_43 = tpu.memref_slice %arg4[%dma_start3A_42, %multiple_of3A] : memref<16x1000000xf32, #tpu.memory_space<hbm>> -> memref<16x128xf32, #tpu.memory_space<hbm>>
      %dma_start3A_44 = arith.constant 0 : i32
      %dma_start3A_45 = arith.constant 0 : i32
      %dma_start3A_46 = tpu.memref_slice %arg9[%dma_start3A_37, %dma_start3A_44, %dma_start3A_45] : memref<16x16x128xf32, #tpu.memory_space<vmem>> -> memref<1x16x128xf32, #tpu.memory_space<vmem>>
      %dma_start3A_47 = tpu.memref_squeeze %dma_start3A_46 : memref<1x16x128xf32, #tpu.memory_space<vmem>> -> memref<16x128xf32, #tpu.memory_space<vmem>>
      %dma_start3A_48 = arith.constant 0 : i32
      %dma_start3A_49 = tpu.memref_slice %arg4[%dma_start3A_48, %multiple_of3A] : memref<16x1000000xf32, #tpu.memory_space<hbm>> -> memref<16x128xf32, #tpu.memory_space<hbm>>
      tpu.enqueue_dma source(%dma_start3A_49 : memref<16x128xf32, #tpu.memory_space<hbm>>) target(%dma_start3A_47 : memref<16x128xf32, #tpu.memory_space<vmem>>) target_semaphore(%arg12 : memref<!tpu.dma_semaphore, #tpu.memory_space<semaphore_mem>>)
      %dma_start3A_50 = arith.constant 0 : i32
      %dma_start3A_51 = arith.constant 0 : i32
      %dma_start3A_52 = arith.constant 0 : i32
      %dma_start3A_53 = tpu.memref_slice %arg10[%dma_start3A_50, %dma_start3A_51, %dma_start3A_52] : memref<16x16x128xf32, #tpu.memory_space<vmem>> -> memref<1x16x128xf32, #tpu.memory_space<vmem>>
      %dma_start3A_54 = tpu.memref_squeeze %dma_start3A_53 : memref<1x16x128xf32, #tpu.memory_space<vmem>> -> memref<16x128xf32, #tpu.memory_space<vmem>>
      %dma_start3A_55 = arith.constant 0 : i32
      %dma_start3A_56 = tpu.memref_slice %arg5[%dma_start3A_55, %multiple_of3A_36] : memref<16x1000000xf32, #tpu.memory_space<hbm>> -> memref<16x128xf32, #tpu.memory_space<hbm>>
      %dma_start3A_57 = arith.constant 0 : i32
      %dma_start3A_58 = arith.constant 0 : i32
      %dma_start3A_59 = tpu.memref_slice %arg10[%dma_start3A_50, %dma_start3A_57, %dma_start3A_58] : memref<16x16x128xf32, #tpu.memory_space<vmem>> -> memref<1x16x128xf32, #tpu.memory_space<vmem>>
      %dma_start3A_60 = tpu.memref_squeeze %dma_start3A_59 : memref<1x16x128xf32, #tpu.memory_space<vmem>> -> memref<16x128xf32, #tpu.memory_space<vmem>>
      %dma_start3A_61 = arith.constant 0 : i32
      %dma_start3A_62 = tpu.memref_slice %arg5[%dma_start3A_61, %multiple_of3A_36] : memref<16x1000000xf32, #tpu.memory_space<hbm>> -> memref<16x128xf32, #tpu.memory_space<hbm>>
      tpu.enqueue_dma source(%dma_start3A_62 : memref<16x128xf32, #tpu.memory_space<hbm>>) target(%dma_start3A_60 : memref<16x128xf32, #tpu.memory_space<vmem>>) target_semaphore(%arg12 : memref<!tpu.dma_semaphore, #tpu.memory_space<semaphore_mem>>)
      %slice3A_63 = vector.extract_strided_slice %mul3A_27 {offsets = [1], sizes = [1], strides = [1]} : vector<16xi32> to vector<1xi32>
      %squeeze3A_64 = vector.extract %slice3A_63[0] : i32 from vector<1xi32>
      %multiple_of3A_65 = tpu.assume_multiple %squeeze3A_64, 128 : i32
      %slice3A_66 = vector.extract_strided_slice %mul3A_33 {offsets = [1], sizes = [1], strides = [1]} : vector<16xi32> to vector<1xi32>
      %squeeze3A_67 = vector.extract %slice3A_66[0] : i32 from vector<1xi32>
      %multiple_of3A_68 = tpu.assume_multiple %squeeze3A_67, 128 : i32
      %dma_start3A_69 = arith.constant 1 : i32
      %dma_start3A_70 = arith.constant 0 : i32
      %dma_start3A_71 = arith.constant 0 : i32
      %dma_start3A_72 = tpu.memref_slice %arg9[%dma_start3A_69, %dma_start3A_70, %dma_start3A_71] : memref<16x16x128xf32, #tpu.memory_space<vmem>> -> memref<1x16x128xf32, #tpu.memory_space<vmem>>
      %dma_start3A_73 = tpu.memref_squeeze %dma_start3A_72 : memref<1x16x128xf32, #tpu.memory_space<vmem>> -> memref<16x128xf32, #tpu.memory_space<vmem>>
      %dma_start3A_74 = arith.constant 0 : i32
      %dma_start3A_75 = tpu.memref_slice %arg4[%dma_start3A_74, %multiple_of3A_65] : memref<16x1000000xf32, #tpu.memory_space<hbm>> -> memref<16x128xf32, #tpu.memory_space<hbm>>
      %dma_start3A_76 = arith.constant 0 : i32
      %dma_start3A_77 = arith.constant 0 : i32
      %dma_start3A_78 = tpu.memref_slice %arg9[%dma_start3A_69, %dma_start3A_76, %dma_start3A_77] : memref<16x16x128xf32, #tpu.memory_space<vmem>> -> memref<1x16x128xf32, #tpu.memory_space<vmem>>
      %dma_start3A_79 = tpu.memref_squeeze %dma_start3A_78 : memref<1x16x128xf32, #tpu.memory_space<vmem>> -> memref<16x128xf32, #tpu.memory_space<vmem>>
      %dma_start3A_80 = arith.constant 0 : i32
      %dma_start3A_81 = tpu.memref_slice %arg4[%dma_start3A_80, %multiple_of3A_65] : memref<16x1000000xf32, #tpu.memory_space<hbm>> -> memref<16x128xf32, #tpu.memory_space<hbm>>
      tpu.enqueue_dma source(%dma_start3A_81 : memref<16x128xf32, #tpu.memory_space<hbm>>) target(%dma_start3A_79 : memref<16x128xf32, #tpu.memory_space<vmem>>) target_semaphore(%arg12 : memref<!tpu.dma_semaphore, #tpu.memory_space<semaphore_mem>>)
      %dma_start3A_82 = arith.constant 1 : i32
      %dma_start3A_83 = arith.constant 0 : i32
      %dma_start3A_84 = arith.constant 0 : i32
      %dma_start3A_85 = tpu.memref_slice %arg10[%dma_start3A_82, %dma_start3A_83, %dma_start3A_84] : memref<16x16x128xf32, #tpu.memory_space<vmem>> -> memref<1x16x128xf32, #tpu.memory_space<vmem>>
      %dma_start3A_86 = tpu.memref_squeeze %dma_start3A_85 : memref<1x16x128xf32, #tpu.memory_space<vmem>> -> memref<16x128xf32, #tpu.memory_space<vmem>>
      %dma_start3A_87 = arith.constant 0 : i32
      %dma_start3A_88 = tpu.memref_slice %arg5[%dma_start3A_87, %multiple_of3A_68] : memref<16x1000000xf32, #tpu.memory_space<hbm>> -> memref<16x128xf32, #tpu.memory_space<hbm>>
      %dma_start3A_89 = arith.constant 0 : i32
      %dma_start3A_90 = arith.constant 0 : i32
      %dma_start3A_91 = tpu.memref_slice %arg10[%dma_start3A_82, %dma_start3A_89, %dma_start3A_90] : memref<16x16x128xf32, #tpu.memory_space<vmem>> -> memref<1x16x128xf32, #tpu.memory_space<vmem>>
      %dma_start3A_92 = tpu.memref_squeeze %dma_start3A_91 : memref<1x16x128xf32, #tpu.memory_space<vmem>> -> memref<16x128xf32, #tpu.memory_space<vmem>>
      %dma_start3A_93 = arith.constant 0 : i32
      %dma_start3A_94 = tpu.memref_slice %arg5[%dma_start3A_93, %multiple_of3A_68] : memref<16x1000000xf32, #tpu.memory_space<hbm>> -> memref<16x128xf32, #tpu.memory_space<hbm>>
      tpu.enqueue_dma source(%dma_start3A_94 : memref<16x128xf32, #tpu.memory_space<hbm>>) target(%dma_start3A_92 : memref<16x128xf32, #tpu.memory_space<vmem>>) target_semaphore(%arg12 : memref<!tpu.dma_semaphore, #tpu.memory_space<semaphore_mem>>)
      %slice3A_95 = vector.extract_strided_slice %mul3A_27 {offsets = [2], sizes = [1], strides = [1]} : vector<16xi32> to vector<1xi32>
      %squeeze3A_96 = vector.extract %slice3A_95[0] : i32 from vector<1xi32>
      %multiple_of3A_97 = tpu.assume_multiple %squeeze3A_96, 128 : i32
      %slice3A_98 = vector.extract_strided_slice %mul3A_33 {offsets = [2], sizes = [1], strides = [1]} : vector<16xi32> to vector<1xi32>
      %squeeze3A_99 = vector.extract %slice3A_98[0] : i32 from vector<1xi32>
      %multiple_of3A_100 = tpu.assume_multiple %squeeze3A_99, 128 : i32
      %dma_start3A_101 = arith.constant 2 : i32
      %dma_start3A_102 = arith.constant 0 : i32
      %dma_start3A_103 = arith.constant 0 : i32
      %dma_start3A_104 = tpu.memref_slice %arg9[%dma_start3A_101, %dma_start3A_102, %dma_start3A_103] : memref<16x16x128xf32, #tpu.memory_space<vmem>> -> memref<1x16x128xf32, #tpu.memory_space<vmem>>
      %dma_start3A_105 = tpu.memref_squeeze %dma_start3A_104 : memref<1x16x128xf32, #tpu.memory_space<vmem>> -> memref<16x128xf32, #tpu.memory_space<vmem>>
      %dma_start3A_106 = arith.constant 0 : i32
      %dma_start3A_107 = tpu.memref_slice %arg4[%dma_start3A_106, %multiple_of3A_97] : memref<16x1000000xf32, #tpu.memory_space<hbm>> -> memref<16x128xf32, #tpu.memory_space<hbm>>
      %dma_start3A_108 = arith.constant 0 : i32
      %dma_start3A_109 = arith.constant 0 : i32
      %dma_start3A_110 = tpu.memref_slice %arg9[%dma_start3A_101, %dma_start3A_108, %dma_start3A_109] : memref<16x16x128xf32, #tpu.memory_space<vmem>> -> memref<1x16x128xf32, #tpu.memory_space<vmem>>
      %dma_start3A_111 = tpu.memref_squeeze %dma_start3A_110 : memref<1x16x128xf32, #tpu.memory_space<vmem>> -> memref<16x128xf32, #tpu.memory_space<vmem>>
      %dma_start3A_112 = arith.constant 0 : i32
      %dma_start3A_113 = tpu.memref_slice %arg4[%dma_start3A_112, %multiple_of3A_97] : memref<16x1000000xf32, #tpu.memory_space<hbm>> -> memref<16x128xf32, #tpu.memory_space<hbm>>
      tpu.enqueue_dma source(%dma_start3A_113 : memref<16x128xf32, #tpu.memory_space<hbm>>) target(%dma_start3A_111 : memref<16x128xf32, #tpu.memory_space<vmem>>) target_semaphore(%arg12 : memref<!tpu.dma_semaphore, #tpu.memory_space<semaphore_mem>>)
      %dma_start3A_114 = arith.constant 2 : i32
      %dma_start3A_115 = arith.constant 0 : i32
      %dma_start3A_116 = arith.constant 0 : i32
      %dma_start3A_117 = tpu.memref_slice %arg10[%dma_start3A_114, %dma_start3A_115, %dma_start3A_116] : memref<16x16x128xf32, #tpu.memory_space<vmem>> -> memref<1x16x128xf32, #tpu.memory_space<vmem>>
      %dma_start3A_118 = tpu.memref_squeeze %dma_start3A_117 : memref<1x16x128xf32, #tpu.memory_space<vmem>> -> memref<16x128xf32, #tpu.memory_space<vmem>>
      %dma_start3A_119 = arith.constant 0 : i32
      %dma_start3A_120 = tpu.memref_slice %arg5[%dma_start3A_119, %multiple_of3A_100] : memref<16x1000000xf32, #tpu.memory_space<hbm>> -> memref<16x128xf32, #tpu.memory_space<hbm>>
      %dma_start3A_121 = arith.constant 0 : i32
      %dma_start3A_122 = arith.constant 0 : i32
      %dma_start3A_123 = tpu.memref_slice %arg10[%dma_start3A_114, %dma_start3A_121, %dma_start3A_122] : memref<16x16x128xf32, #tpu.memory_space<vmem>> -> memref<1x16x128xf32, #tpu.memory_space<vmem>>
      %dma_start3A_124 = tpu.memref_squeeze %dma_start3A_123 : memref<1x16x128xf32, #tpu.memory_space<vmem>> -> memref<16x128xf32, #tpu.memory_space<vmem>>
      %dma_start3A_125 = arith.constant 0 : i32
      %dma_start3A_126 = tpu.memref_slice %arg5[%dma_start3A_125, %multiple_of3A_100] : memref<16x1000000xf32, #tpu.memory_space<hbm>> -> memref<16x128xf32, #tpu.memory_space<hbm>>
      tpu.enqueue_dma source(%dma_start3A_126 : memref<16x128xf32, #tpu.memory_space<hbm>>) target(%dma_start3A_124 : memref<16x128xf32, #tpu.memory_space<vmem>>) target_semaphore(%arg12 : memref<!tpu.dma_semaphore, #tpu.memory_space<semaphore_mem>>)
      %slice3A_127 = vector.extract_strided_slice %mul3A_27 {offsets = [3], sizes = [1], strides = [1]} : vector<16xi32> to vector<1xi32>
      %squeeze3A_128 = vector.extract %slice3A_127[0] : i32 from vector<1xi32>
      %multiple_of3A_129 = tpu.assume_multiple %squeeze3A_128, 128 : i32
      %slice3A_130 = vector.extract_strided_slice %mul3A_33 {offsets = [3], sizes = [1], strides = [1]} : vector<16xi32> to vector<1xi32>
      %squeeze3A_131 = vector.extract %slice3A_130[0] : i32 from vector<1xi32>
      %multiple_of3A_132 = tpu.assume_multiple %squeeze3A_131, 128 : i32
      %dma_start3A_133 = arith.constant 3 : i32
      %dma_start3A_134 = arith.constant 0 : i32
      %dma_start3A_135 = arith.constant 0 : i32
      %dma_start3A_136 = tpu.memref_slice %arg9[%dma_start3A_133, %dma_start3A_134, %dma_start3A_135] : memref<16x16x128xf32, #tpu.memory_space<vmem>> -> memref<1x16x128xf32, #tpu.memory_space<vmem>>
      %dma_start3A_137 = tpu.memref_squeeze %dma_start3A_136 : memref<1x16x128xf32, #tpu.memory_space<vmem>> -> memref<16x128xf32, #tpu.memory_space<vmem>>
      %dma_start3A_138 = arith.constant 0 : i32
      %dma_start3A_139 = tpu.memref_slice %arg4[%dma_start3A_138, %multiple_of3A_129] : memref<16x1000000xf32, #tpu.memory_space<hbm>> -> memref<16x128xf32, #tpu.memory_space<hbm>>
      %dma_start3A_140 = arith.constant 0 : i32
      %dma_start3A_141 = arith.constant 0 : i32
      %dma_start3A_142 = tpu.memref_slice %arg9[%dma_start3A_133, %dma_start3A_140, %dma_start3A_141] : memref<16x16x128xf32, #tpu.memory_space<vmem>> -> memref<1x16x128xf32, #tpu.memory_space<vmem>>
      %dma_start3A_143 = tpu.memref_squeeze %dma_start3A_142 : memref<1x16x128xf32, #tpu.memory_space<vmem>> -> memref<16x128xf32, #tpu.memory_space<vmem>>
      %dma_start3A_144 = arith.constant 0 : i32
      %dma_start3A_145 = tpu.memref_slice %arg4[%dma_start3A_144, %multiple_of3A_129] : memref<16x1000000xf32, #tpu.memory_space<hbm>> -> memref<16x128xf32, #tpu.memory_space<hbm>>
      tpu.enqueue_dma source(%dma_start3A_145 : memref<16x128xf32, #tpu.memory_space<hbm>>) target(%dma_start3A_143 : memref<16x128xf32, #tpu.memory_space<vmem>>) target_semaphore(%arg12 : memref<!tpu.dma_semaphore, #tpu.memory_space<semaphore_mem>>)
      %dma_start3A_146 = arith.constant 3 : i32
      %dma_start3A_147 = arith.constant 0 : i32
      %dma_start3A_148 = arith.constant 0 : i32
      %dma_start3A_149 = tpu.memref_slice %arg10[%dma_start3A_146, %dma_start3A_147, %dma_start3A_148] : memref<16x16x128xf32, #tpu.memory_space<vmem>> -> memref<1x16x128xf32, #tpu.memory_space<vmem>>
      %dma_start3A_150 = tpu.memref_squeeze %dma_start3A_149 : memref<1x16x128xf32, #tpu.memory_space<vmem>> -> memref<16x128xf32, #tpu.memory_space<vmem>>
      %dma_start3A_151 = arith.constant 0 : i32
      %dma_start3A_152 = tpu.memref_slice %arg5[%dma_start3A_151, %multiple_of3A_132] : memref<16x1000000xf32, #tpu.memory_space<hbm>> -> memref<16x128xf32, #tpu.memory_space<hbm>>
      %dma_start3A_153 = arith.constant 0 : i32
      %dma_start3A_154 = arith.constant 0 : i32
      %dma_start3A_155 = tpu.memref_slice %arg10[%dma_start3A_146, %dma_start3A_153, %dma_start3A_154] : memref<16x16x128xf32, #tpu.memory_space<vmem>> -> memref<1x16x128xf32, #tpu.memory_space<vmem>>
      %dma_start3A_156 = tpu.memref_squeeze %dma_start3A_155 : memref<1x16x128xf32, #tpu.memory_space<vmem>> -> memref<16x128xf32, #tpu.memory_space<vmem>>
      %dma_start3A_157 = arith.constant 0 : i32
      %dma_start3A_158 = tpu.memref_slice %arg5[%dma_start3A_157, %multiple_of3A_132] : memref<16x1000000xf32, #tpu.memory_space<hbm>> -> memref<16x128xf32, #tpu.memory_space<hbm>>
      tpu.enqueue_dma source(%dma_start3A_158 : memref<16x128xf32, #tpu.memory_space<hbm>>) target(%dma_start3A_156 : memref<16x128xf32, #tpu.memory_space<vmem>>) target_semaphore(%arg12 : memref<!tpu.dma_semaphore, #tpu.memory_space<semaphore_mem>>)
      %slice3A_159 = vector.extract_strided_slice %mul3A_27 {offsets = [4], sizes = [1], strides = [1]} : vector<16xi32> to vector<1xi32>
      %squeeze3A_160 = vector.extract %slice3A_159[0] : i32 from vector<1xi32>
      %multiple_of3A_161 = tpu.assume_multiple %squeeze3A_160, 128 : i32
      %slice3A_162 = vector.extract_strided_slice %mul3A_33 {offsets = [4], sizes = [1], strides = [1]} : vector<16xi32> to vector<1xi32>
      %squeeze3A_163 = vector.extract %slice3A_162[0] : i32 from vector<1xi32>
      %multiple_of3A_164 = tpu.assume_multiple %squeeze3A_163, 128 : i32
      %dma_start3A_165 = arith.constant 4 : i32
      %dma_start3A_166 = arith.constant 0 : i32
      %dma_start3A_167 = arith.constant 0 : i32
      %dma_start3A_168 = tpu.memref_slice %arg9[%dma_start3A_165, %dma_start3A_166, %dma_start3A_167] : memref<16x16x128xf32, #tpu.memory_space<vmem>> -> memref<1x16x128xf32, #tpu.memory_space<vmem>>
      %dma_start3A_169 = tpu.memref_squeeze %dma_start3A_168 : memref<1x16x128xf32, #tpu.memory_space<vmem>> -> memref<16x128xf32, #tpu.memory_space<vmem>>
      %dma_start3A_170 = arith.constant 0 : i32
      %dma_start3A_171 = tpu.memref_slice %arg4[%dma_start3A_170, %multiple_of3A_161] : memref<16x1000000xf32, #tpu.memory_space<hbm>> -> memref<16x128xf32, #tpu.memory_space<hbm>>
      %dma_start3A_172 = arith.constant 0 : i32
      %dma_start3A_173 = arith.constant 0 : i32
      %dma_start3A_174 = tpu.memref_slice %arg9[%dma_start3A_165, %dma_start3A_172, %dma_start3A_173] : memref<16x16x128xf32, #tpu.memory_space<vmem>> -> memref<1x16x128xf32, #tpu.memory_space<vmem>>
      %dma_start3A_175 = tpu.memref_squeeze %dma_start3A_174 : memref<1x16x128xf32, #tpu.memory_space<vmem>> -> memref<16x128xf32, #tpu.memory_space<vmem>>
      %dma_start3A_176 = arith.constant 0 : i32
      %dma_start3A_177 = tpu.memref_slice %arg4[%dma_start3A_176, %multiple_of3A_161] : memref<16x1000000xf32, #tpu.memory_space<hbm>> -> memref<16x128xf32, #tpu.memory_space<hbm>>
      tpu.enqueue_dma source(%dma_start3A_177 : memref<16x128xf32, #tpu.memory_space<hbm>>) target(%dma_start3A_175 : memref<16x128xf32, #tpu.memory_space<vmem>>) target_semaphore(%arg12 : memref<!tpu.dma_semaphore, #tpu.memory_space<semaphore_mem>>)
      %dma_start3A_178 = arith.constant 4 : i32
      %dma_start3A_179 = arith.constant 0 : i32
      %dma_start3A_180 = arith.constant 0 : i32
      %dma_start3A_181 = tpu.memref_slice %arg10[%dma_start3A_178, %dma_start3A_179, %dma_start3A_180] : memref<16x16x128xf32, #tpu.memory_space<vmem>> -> memref<1x16x128xf32, #tpu.memory_space<vmem>>
      %dma_start3A_182 = tpu.memref_squeeze %dma_start3A_181 : memref<1x16x128xf32, #tpu.memory_space<vmem>> -> memref<16x128xf32, #tpu.memory_space<vmem>>
      %dma_start3A_183 = arith.constant 0 : i32
      %dma_start3A_184 = tpu.memref_slice %arg5[%dma_start3A_183, %multiple_of3A_164] : memref<16x1000000xf32, #tpu.memory_space<hbm>> -> memref<16x128xf32, #tpu.memory_space<hbm>>
      %dma_start3A_185 = arith.constant 0 : i32
      %dma_start3A_186 = arith.constant 0 : i32
      %dma_start3A_187 = tpu.memref_slice %arg10[%dma_start3A_178, %dma_start3A_185, %dma_start3A_186] : memref<16x16x128xf32, #tpu.memory_space<vmem>> -> memref<1x16x128xf32, #tpu.memory_space<vmem>>
      %dma_start3A_188 = tpu.memref_squeeze %dma_start3A_187 : memref<1x16x128xf32, #tpu.memory_space<vmem>> -> memref<16x128xf32, #tpu.memory_space<vmem>>
      %dma_start3A_189 = arith.constant 0 : i32
      %dma_start3A_190 = tpu.memref_slice %arg5[%dma_start3A_189, %multiple_of3A_164] : memref<16x1000000xf32, #tpu.memory_space<hbm>> -> memref<16x128xf32, #tpu.memory_space<hbm>>
      tpu.enqueue_dma source(%dma_start3A_190 : memref<16x128xf32, #tpu.memory_space<hbm>>) target(%dma_start3A_188 : memref<16x128xf32, #tpu.memory_space<vmem>>) target_semaphore(%arg12 : memref<!tpu.dma_semaphore, #tpu.memory_space<semaphore_mem>>)
      %slice3A_191 = vector.extract_strided_slice %mul3A_27 {offsets = [5], sizes = [1], strides = [1]} : vector<16xi32> to vector<1xi32>
      %squeeze3A_192 = vector.extract %slice3A_191[0] : i32 from vector<1xi32>
      %multiple_of3A_193 = tpu.assume_multiple %squeeze3A_192, 128 : i32
      %slice3A_194 = vector.extract_strided_slice %mul3A_33 {offsets = [5], sizes = [1], strides = [1]} : vector<16xi32> to vector<1xi32>
      %squeeze3A_195 = vector.extract %slice3A_194[0] : i32 from vector<1xi32>
      %multiple_of3A_196 = tpu.assume_multiple %squeeze3A_195, 128 : i32
      %dma_start3A_197 = arith.constant 5 : i32
      %dma_start3A_198 = arith.constant 0 : i32
      %dma_start3A_199 = arith.constant 0 : i32
      %dma_start3A_200 = tpu.memref_slice %arg9[%dma_start3A_197, %dma_start3A_198, %dma_start3A_199] : memref<16x16x128xf32, #tpu.memory_space<vmem>> -> memref<1x16x128xf32, #tpu.memory_space<vmem>>
      %dma_start3A_201 = tpu.memref_squeeze %dma_start3A_200 : memref<1x16x128xf32, #tpu.memory_space<vmem>> -> memref<16x128xf32, #tpu.memory_space<vmem>>
      %dma_start3A_202 = arith.constant 0 : i32
      %dma_start3A_203 = tpu.memref_slice %arg4[%dma_start3A_202, %multiple_of3A_193] : memref<16x1000000xf32, #tpu.memory_space<hbm>> -> memref<16x128xf32, #tpu.memory_space<hbm>>
      %dma_start3A_204 = arith.constant 0 : i32
      %dma_start3A_205 = arith.constant 0 : i32
      %dma_start3A_206 = tpu.memref_slice %arg9[%dma_start3A_197, %dma_start3A_204, %dma_start3A_205] : memref<16x16x128xf32, #tpu.memory_space<vmem>> -> memref<1x16x128xf32, #tpu.memory_space<vmem>>
      %dma_start3A_207 = tpu.memref_squeeze %dma_start3A_206 : memref<1x16x128xf32, #tpu.memory_space<vmem>> -> memref<16x128xf32, #tpu.memory_space<vmem>>
      %dma_start3A_208 = arith.constant 0 : i32
      %dma_start3A_209 = tpu.memref_slice %arg4[%dma_start3A_208, %multiple_of3A_193] : memref<16x1000000xf32, #tpu.memory_space<hbm>> -> memref<16x128xf32, #tpu.memory_space<hbm>>
      tpu.enqueue_dma source(%dma_start3A_209 : memref<16x128xf32, #tpu.memory_space<hbm>>) target(%dma_start3A_207 : memref<16x128xf32, #tpu.memory_space<vmem>>) target_semaphore(%arg12 : memref<!tpu.dma_semaphore, #tpu.memory_space<semaphore_mem>>)
      %dma_start3A_210 = arith.constant 5 : i32
      %dma_start3A_211 = arith.constant 0 : i32
      %dma_start3A_212 = arith.constant 0 : i32
      %dma_start3A_213 = tpu.memref_slice %arg10[%dma_start3A_210, %dma_start3A_211, %dma_start3A_212] : memref<16x16x128xf32, #tpu.memory_space<vmem>> -> memref<1x16x128xf32, #tpu.memory_space<vmem>>
      %dma_start3A_214 = tpu.memref_squeeze %dma_start3A_213 : memref<1x16x128xf32, #tpu.memory_space<vmem>> -> memref<16x128xf32, #tpu.memory_space<vmem>>
      %dma_start3A_215 = arith.constant 0 : i32
      %dma_start3A_216 = tpu.memref_slice %arg5[%dma_start3A_215, %multiple_of3A_196] : memref<16x1000000xf32, #tpu.memory_space<hbm>> -> memref<16x128xf32, #tpu.memory_space<hbm>>
      %dma_start3A_217 = arith.constant 0 : i32
      %dma_start3A_218 = arith.constant 0 : i32
      %dma_start3A_219 = tpu.memref_slice %arg10[%dma_start3A_210, %dma_start3A_217, %dma_start3A_218] : memref<16x16x128xf32, #tpu.memory_space<vmem>> -> memref<1x16x128xf32, #tpu.memory_space<vmem>>
      %dma_start3A_220 = tpu.memref_squeeze %dma_start3A_219 : memref<1x16x128xf32, #tpu.memory_space<vmem>> -> memref<16x128xf32, #tpu.memory_space<vmem>>
      %dma_start3A_221 = arith.constant 0 : i32
      %dma_start3A_222 = tpu.memref_slice %arg5[%dma_start3A_221, %multiple_of3A_196] : memref<16x1000000xf32, #tpu.memory_space<hbm>> -> memref<16x128xf32, #tpu.memory_space<hbm>>
      tpu.enqueue_dma source(%dma_start3A_222 : memref<16x128xf32, #tpu.memory_space<hbm>>) target(%dma_start3A_220 : memref<16x128xf32, #tpu.memory_space<vmem>>) target_semaphore(%arg12 : memref<!tpu.dma_semaphore, #tpu.memory_space<semaphore_mem>>)
      %slice3A_223 = vector.extract_strided_slice %mul3A_27 {offsets = [6], sizes = [1], strides = [1]} : vector<16xi32> to vector<1xi32>
      %squeeze3A_224 = vector.extract %slice3A_223[0] : i32 from vector<1xi32>
      %multiple_of3A_225 = tpu.assume_multiple %squeeze3A_224, 128 : i32
      %slice3A_226 = vector.extract_strided_slice %mul3A_33 {offsets = [6], sizes = [1], strides = [1]} : vector<16xi32> to vector<1xi32>
      %squeeze3A_227 = vector.extract %slice3A_226[0] : i32 from vector<1xi32>
      %multiple_of3A_228 = tpu.assume_multiple %squeeze3A_227, 128 : i32
      %dma_start3A_229 = arith.constant 6 : i32
      %dma_start3A_230 = arith.constant 0 : i32
      %dma_start3A_231 = arith.constant 0 : i32
      %dma_start3A_232 = tpu.memref_slice %arg9[%dma_start3A_229, %dma_start3A_230, %dma_start3A_231] : memref<16x16x128xf32, #tpu.memory_space<vmem>> -> memref<1x16x128xf32, #tpu.memory_space<vmem>>
      %dma_start3A_233 = tpu.memref_squeeze %dma_start3A_232 : memref<1x16x128xf32, #tpu.memory_space<vmem>> -> memref<16x128xf32, #tpu.memory_space<vmem>>
      %dma_start3A_234 = arith.constant 0 : i32
      %dma_start3A_235 = tpu.memref_slice %arg4[%dma_start3A_234, %multiple_of3A_225] : memref<16x1000000xf32, #tpu.memory_space<hbm>> -> memref<16x128xf32, #tpu.memory_space<hbm>>
      %dma_start3A_236 = arith.constant 0 : i32
      %dma_start3A_237 = arith.constant 0 : i32
      %dma_start3A_238 = tpu.memref_slice %arg9[%dma_start3A_229, %dma_start3A_236, %dma_start3A_237] : memref<16x16x128xf32, #tpu.memory_space<vmem>> -> memref<1x16x128xf32, #tpu.memory_space<vmem>>
      %dma_start3A_239 = tpu.memref_squeeze %dma_start3A_238 : memref<1x16x128xf32, #tpu.memory_space<vmem>> -> memref<16x128xf32, #tpu.memory_space<vmem>>
      %dma_start3A_240 = arith.constant 0 : i32
      %dma_start3A_241 = tpu.memref_slice %arg4[%dma_start3A_240, %multiple_of3A_225] : memref<16x1000000xf32, #tpu.memory_space<hbm>> -> memref<16x128xf32, #tpu.memory_space<hbm>>
      tpu.enqueue_dma source(%dma_start3A_241 : memref<16x128xf32, #tpu.memory_space<hbm>>) target(%dma_start3A_239 : memref<16x128xf32, #tpu.memory_space<vmem>>) target_semaphore(%arg12 : memref<!tpu.dma_semaphore, #tpu.memory_space<semaphore_mem>>)
      %dma_start3A_242 = arith.constant 6 : i32
      %dma_start3A_243 = arith.constant 0 : i32
      %dma_start3A_244 = arith.constant 0 : i32
      %dma_start3A_245 = tpu.memref_slice %arg10[%dma_start3A_242, %dma_start3A_243, %dma_start3A_244] : memref<16x16x128xf32, #tpu.memory_space<vmem>> -> memref<1x16x128xf32, #tpu.memory_space<vmem>>
      %dma_start3A_246 = tpu.memref_squeeze %dma_start3A_245 : memref<1x16x128xf32, #tpu.memory_space<vmem>> -> memref<16x128xf32, #tpu.memory_space<vmem>>
      %dma_start3A_247 = arith.constant 0 : i32
      %dma_start3A_248 = tpu.memref_slice %arg5[%dma_start3A_247, %multiple_of3A_228] : memref<16x1000000xf32, #tpu.memory_space<hbm>> -> memref<16x128xf32, #tpu.memory_space<hbm>>
      %dma_start3A_249 = arith.constant 0 : i32
      %dma_start3A_250 = arith.constant 0 : i32
      %dma_start3A_251 = tpu.memref_slice %arg10[%dma_start3A_242, %dma_start3A_249, %dma_start3A_250] : memref<16x16x128xf32, #tpu.memory_space<vmem>> -> memref<1x16x128xf32, #tpu.memory_space<vmem>>
      %dma_start3A_252 = tpu.memref_squeeze %dma_start3A_251 : memref<1x16x128xf32, #tpu.memory_space<vmem>> -> memref<16x128xf32, #tpu.memory_space<vmem>>
      %dma_start3A_253 = arith.constant 0 : i32
      %dma_start3A_254 = tpu.memref_slice %arg5[%dma_start3A_253, %multiple_of3A_228] : memref<16x1000000xf32, #tpu.memory_space<hbm>> -> memref<16x128xf32, #tpu.memory_space<hbm>>
      tpu.enqueue_dma source(%dma_start3A_254 : memref<16x128xf32, #tpu.memory_space<hbm>>) target(%dma_start3A_252 : memref<16x128xf32, #tpu.memory_space<vmem>>) target_semaphore(%arg12 : memref<!tpu.dma_semaphore, #tpu.memory_space<semaphore_mem>>)
      %slice3A_255 = vector.extract_strided_slice %mul3A_27 {offsets = [7], sizes = [1], strides = [1]} : vector<16xi32> to vector<1xi32>
      %squeeze3A_256 = vector.extract %slice3A_255[0] : i32 from vector<1xi32>
      %multiple_of3A_257 = tpu.assume_multiple %squeeze3A_256, 128 : i32
      %slice3A_258 = vector.extract_strided_slice %mul3A_33 {offsets = [7], sizes = [1], strides = [1]} : vector<16xi32> to vector<1xi32>
      %squeeze3A_259 = vector.extract %slice3A_258[0] : i32 from vector<1xi32>
      %multiple_of3A_260 = tpu.assume_multiple %squeeze3A_259, 128 : i32
      %dma_start3A_261 = arith.constant 7 : i32
      %dma_start3A_262 = arith.constant 0 : i32
      %dma_start3A_263 = arith.constant 0 : i32
      %dma_start3A_264 = tpu.memref_slice %arg9[%dma_start3A_261, %dma_start3A_262, %dma_start3A_263] : memref<16x16x128xf32, #tpu.memory_space<vmem>> -> memref<1x16x128xf32, #tpu.memory_space<vmem>>
      %dma_start3A_265 = tpu.memref_squeeze %dma_start3A_264 : memref<1x16x128xf32, #tpu.memory_space<vmem>> -> memref<16x128xf32, #tpu.memory_space<vmem>>
      %dma_start3A_266 = arith.constant 0 : i32
      %dma_start3A_267 = tpu.memref_slice %arg4[%dma_start3A_266, %multiple_of3A_257] : memref<16x1000000xf32, #tpu.memory_space<hbm>> -> memref<16x128xf32, #tpu.memory_space<hbm>>
      %dma_start3A_268 = arith.constant 0 : i32
      %dma_start3A_269 = arith.constant 0 : i32
      %dma_start3A_270 = tpu.memref_slice %arg9[%dma_start3A_261, %dma_start3A_268, %dma_start3A_269] : memref<16x16x128xf32, #tpu.memory_space<vmem>> -> memref<1x16x128xf32, #tpu.memory_space<vmem>>
      %dma_start3A_271 = tpu.memref_squeeze %dma_start3A_270 : memref<1x16x128xf32, #tpu.memory_space<vmem>> -> memref<16x128xf32, #tpu.memory_space<vmem>>
      %dma_start3A_272 = arith.constant 0 : i32
      %dma_start3A_273 = tpu.memref_slice %arg4[%dma_start3A_272, %multiple_of3A_257] : memref<16x1000000xf32, #tpu.memory_space<hbm>> -> memref<16x128xf32, #tpu.memory_space<hbm>>
      tpu.enqueue_dma source(%dma_start3A_273 : memref<16x128xf32, #tpu.memory_space<hbm>>) target(%dma_start3A_271 : memref<16x128xf32, #tpu.memory_space<vmem>>) target_semaphore(%arg12 : memref<!tpu.dma_semaphore, #tpu.memory_space<semaphore_mem>>)
      %dma_start3A_274 = arith.constant 7 : i32
      %dma_start3A_275 = arith.constant 0 : i32
      %dma_start3A_276 = arith.constant 0 : i32
      %dma_start3A_277 = tpu.memref_slice %arg10[%dma_start3A_274, %dma_start3A_275, %dma_start3A_276] : memref<16x16x128xf32, #tpu.memory_space<vmem>> -> memref<1x16x128xf32, #tpu.memory_space<vmem>>
      %dma_start3A_278 = tpu.memref_squeeze %dma_start3A_277 : memref<1x16x128xf32, #tpu.memory_space<vmem>> -> memref<16x128xf32, #tpu.memory_space<vmem>>
      %dma_start3A_279 = arith.constant 0 : i32
      %dma_start3A_280 = tpu.memref_slice %arg5[%dma_start3A_279, %multiple_of3A_260] : memref<16x1000000xf32, #tpu.memory_space<hbm>> -> memref<16x128xf32, #tpu.memory_space<hbm>>
      %dma_start3A_281 = arith.constant 0 : i32
      %dma_start3A_282 = arith.constant 0 : i32
      %dma_start3A_283 = tpu.memref_slice %arg10[%dma_start3A_274, %dma_start3A_281, %dma_start3A_282] : memref<16x16x128xf32, #tpu.memory_space<vmem>> -> memref<1x16x128xf32, #tpu.memory_space<vmem>>
      %dma_start3A_284 = tpu.memref_squeeze %dma_start3A_283 : memref<1x16x128xf32, #tpu.memory_space<vmem>> -> memref<16x128xf32, #tpu.memory_space<vmem>>
      %dma_start3A_285 = arith.constant 0 : i32
      %dma_start3A_286 = tpu.memref_slice %arg5[%dma_start3A_285, %multiple_of3A_260] : memref<16x1000000xf32, #tpu.memory_space<hbm>> -> memref<16x128xf32, #tpu.memory_space<hbm>>
      tpu.enqueue_dma source(%dma_start3A_286 : memref<16x128xf32, #tpu.memory_space<hbm>>) target(%dma_start3A_284 : memref<16x128xf32, #tpu.memory_space<vmem>>) target_semaphore(%arg12 : memref<!tpu.dma_semaphore, #tpu.memory_space<semaphore_mem>>)
      %slice3A_287 = vector.extract_strided_slice %mul3A_27 {offsets = [8], sizes = [1], strides = [1]} : vector<16xi32> to vector<1xi32>
      %squeeze3A_288 = vector.extract %slice3A_287[0] : i32 from vector<1xi32>
      %multiple_of3A_289 = tpu.assume_multiple %squeeze3A_288, 128 : i32
      %slice3A_290 = vector.extract_strided_slice %mul3A_33 {offsets = [8], sizes = [1], strides = [1]} : vector<16xi32> to vector<1xi32>
      %squeeze3A_291 = vector.extract %slice3A_290[0] : i32 from vector<1xi32>
      %multiple_of3A_292 = tpu.assume_multiple %squeeze3A_291, 128 : i32
      %dma_start3A_293 = arith.constant 8 : i32
      %dma_start3A_294 = arith.constant 0 : i32
      %dma_start3A_295 = arith.constant 0 : i32
      %dma_start3A_296 = tpu.memref_slice %arg9[%dma_start3A_293, %dma_start3A_294, %dma_start3A_295] : memref<16x16x128xf32, #tpu.memory_space<vmem>> -> memref<1x16x128xf32, #tpu.memory_space<vmem>>
      %dma_start3A_297 = tpu.memref_squeeze %dma_start3A_296 : memref<1x16x128xf32, #tpu.memory_space<vmem>> -> memref<16x128xf32, #tpu.memory_space<vmem>>
      %dma_start3A_298 = arith.constant 0 : i32
      %dma_start3A_299 = tpu.memref_slice %arg4[%dma_start3A_298, %multiple_of3A_289] : memref<16x1000000xf32, #tpu.memory_space<hbm>> -> memref<16x128xf32, #tpu.memory_space<hbm>>
      %dma_start3A_300 = arith.constant 0 : i32
      %dma_start3A_301 = arith.constant 0 : i32
      %dma_start3A_302 = tpu.memref_slice %arg9[%dma_start3A_293, %dma_start3A_300, %dma_start3A_301] : memref<16x16x128xf32, #tpu.memory_space<vmem>> -> memref<1x16x128xf32, #tpu.memory_space<vmem>>
      %dma_start3A_303 = tpu.memref_squeeze %dma_start3A_302 : memref<1x16x128xf32, #tpu.memory_space<vmem>> -> memref<16x128xf32, #tpu.memory_space<vmem>>
      %dma_start3A_304 = arith.constant 0 : i32
      %dma_start3A_305 = tpu.memref_slice %arg4[%dma_start3A_304, %multiple_of3A_289] : memref<16x1000000xf32, #tpu.memory_space<hbm>> -> memref<16x128xf32, #tpu.memory_space<hbm>>
      tpu.enqueue_dma source(%dma_start3A_305 : memref<16x128xf32, #tpu.memory_space<hbm>>) target(%dma_start3A_303 : memref<16x128xf32, #tpu.memory_space<vmem>>) target_semaphore(%arg12 : memref<!tpu.dma_semaphore, #tpu.memory_space<semaphore_mem>>)
      %dma_start3A_306 = arith.constant 8 : i32
      %dma_start3A_307 = arith.constant 0 : i32
      %dma_start3A_308 = arith.constant 0 : i32
      %dma_start3A_309 = tpu.memref_slice %arg10[%dma_start3A_306, %dma_start3A_307, %dma_start3A_308] : memref<16x16x128xf32, #tpu.memory_space<vmem>> -> memref<1x16x128xf32, #tpu.memory_space<vmem>>
      %dma_start3A_310 = tpu.memref_squeeze %dma_start3A_309 : memref<1x16x128xf32, #tpu.memory_space<vmem>> -> memref<16x128xf32, #tpu.memory_space<vmem>>
      %dma_start3A_311 = arith.constant 0 : i32
      %dma_start3A_312 = tpu.memref_slice %arg5[%dma_start3A_311, %multiple_of3A_292] : memref<16x1000000xf32, #tpu.memory_space<hbm>> -> memref<16x128xf32, #tpu.memory_space<hbm>>
      %dma_start3A_313 = arith.constant 0 : i32
      %dma_start3A_314 = arith.constant 0 : i32
      %dma_start3A_315 = tpu.memref_slice %arg10[%dma_start3A_306, %dma_start3A_313, %dma_start3A_314] : memref<16x16x128xf32, #tpu.memory_space<vmem>> -> memref<1x16x128xf32, #tpu.memory_space<vmem>>
      %dma_start3A_316 = tpu.memref_squeeze %dma_start3A_315 : memref<1x16x128xf32, #tpu.memory_space<vmem>> -> memref<16x128xf32, #tpu.memory_space<vmem>>
      %dma_start3A_317 = arith.constant 0 : i32
      %dma_start3A_318 = tpu.memref_slice %arg5[%dma_start3A_317, %multiple_of3A_292] : memref<16x1000000xf32, #tpu.memory_space<hbm>> -> memref<16x128xf32, #tpu.memory_space<hbm>>
      tpu.enqueue_dma source(%dma_start3A_318 : memref<16x128xf32, #tpu.memory_space<hbm>>) target(%dma_start3A_316 : memref<16x128xf32, #tpu.memory_space<vmem>>) target_semaphore(%arg12 : memref<!tpu.dma_semaphore, #tpu.memory_space<semaphore_mem>>)
      %slice3A_319 = vector.extract_strided_slice %mul3A_27 {offsets = [9], sizes = [1], strides = [1]} : vector<16xi32> to vector<1xi32>
      %squeeze3A_320 = vector.extract %slice3A_319[0] : i32 from vector<1xi32>
      %multiple_of3A_321 = tpu.assume_multiple %squeeze3A_320, 128 : i32
      %slice3A_322 = vector.extract_strided_slice %mul3A_33 {offsets = [9], sizes = [1], strides = [1]} : vector<16xi32> to vector<1xi32>
      %squeeze3A_323 = vector.extract %slice3A_322[0] : i32 from vector<1xi32>
      %multiple_of3A_324 = tpu.assume_multiple %squeeze3A_323, 128 : i32
      %dma_start3A_325 = arith.constant 9 : i32
      %dma_start3A_326 = arith.constant 0 : i32
      %dma_start3A_327 = arith.constant 0 : i32
      %dma_start3A_328 = tpu.memref_slice %arg9[%dma_start3A_325, %dma_start3A_326, %dma_start3A_327] : memref<16x16x128xf32, #tpu.memory_space<vmem>> -> memref<1x16x128xf32, #tpu.memory_space<vmem>>
      %dma_start3A_329 = tpu.memref_squeeze %dma_start3A_328 : memref<1x16x128xf32, #tpu.memory_space<vmem>> -> memref<16x128xf32, #tpu.memory_space<vmem>>
      %dma_start3A_330 = arith.constant 0 : i32
      %dma_start3A_331 = tpu.memref_slice %arg4[%dma_start3A_330, %multiple_of3A_321] : memref<16x1000000xf32, #tpu.memory_space<hbm>> -> memref<16x128xf32, #tpu.memory_space<hbm>>
      %dma_start3A_332 = arith.constant 0 : i32
      %dma_start3A_333 = arith.constant 0 : i32
      %dma_start3A_334 = tpu.memref_slice %arg9[%dma_start3A_325, %dma_start3A_332, %dma_start3A_333] : memref<16x16x128xf32, #tpu.memory_space<vmem>> -> memref<1x16x128xf32, #tpu.memory_space<vmem>>
      %dma_start3A_335 = tpu.memref_squeeze %dma_start3A_334 : memref<1x16x128xf32, #tpu.memory_space<vmem>> -> memref<16x128xf32, #tpu.memory_space<vmem>>
      %dma_start3A_336 = arith.constant 0 : i32
      %dma_start3A_337 = tpu.memref_slice %arg4[%dma_start3A_336, %multiple_of3A_321] : memref<16x1000000xf32, #tpu.memory_space<hbm>> -> memref<16x128xf32, #tpu.memory_space<hbm>>
      tpu.enqueue_dma source(%dma_start3A_337 : memref<16x128xf32, #tpu.memory_space<hbm>>) target(%dma_start3A_335 : memref<16x128xf32, #tpu.memory_space<vmem>>) target_semaphore(%arg12 : memref<!tpu.dma_semaphore, #tpu.memory_space<semaphore_mem>>)
      %dma_start3A_338 = arith.constant 9 : i32
      %dma_start3A_339 = arith.constant 0 : i32
      %dma_start3A_340 = arith.constant 0 : i32
      %dma_start3A_341 = tpu.memref_slice %arg10[%dma_start3A_338, %dma_start3A_339, %dma_start3A_340] : memref<16x16x128xf32, #tpu.memory_space<vmem>> -> memref<1x16x128xf32, #tpu.memory_space<vmem>>
      %dma_start3A_342 = tpu.memref_squeeze %dma_start3A_341 : memref<1x16x128xf32, #tpu.memory_space<vmem>> -> memref<16x128xf32, #tpu.memory_space<vmem>>
      %dma_start3A_343 = arith.constant 0 : i32
      %dma_start3A_344 = tpu.memref_slice %arg5[%dma_start3A_343, %multiple_of3A_324] : memref<16x1000000xf32, #tpu.memory_space<hbm>> -> memref<16x128xf32, #tpu.memory_space<hbm>>
      %dma_start3A_345 = arith.constant 0 : i32
      %dma_start3A_346 = arith.constant 0 : i32
      %dma_start3A_347 = tpu.memref_slice %arg10[%dma_start3A_338, %dma_start3A_345, %dma_start3A_346] : memref<16x16x128xf32, #tpu.memory_space<vmem>> -> memref<1x16x128xf32, #tpu.memory_space<vmem>>
      %dma_start3A_348 = tpu.memref_squeeze %dma_start3A_347 : memref<1x16x128xf32, #tpu.memory_space<vmem>> -> memref<16x128xf32, #tpu.memory_space<vmem>>
      %dma_start3A_349 = arith.constant 0 : i32
      %dma_start3A_350 = tpu.memref_slice %arg5[%dma_start3A_349, %multiple_of3A_324] : memref<16x1000000xf32, #tpu.memory_space<hbm>> -> memref<16x128xf32, #tpu.memory_space<hbm>>
      tpu.enqueue_dma source(%dma_start3A_350 : memref<16x128xf32, #tpu.memory_space<hbm>>) target(%dma_start3A_348 : memref<16x128xf32, #tpu.memory_space<vmem>>) target_semaphore(%arg12 : memref<!tpu.dma_semaphore, #tpu.memory_space<semaphore_mem>>)
      %slice3A_351 = vector.extract_strided_slice %mul3A_27 {offsets = [10], sizes = [1], strides = [1]} : vector<16xi32> to vector<1xi32>
      %squeeze3A_352 = vector.extract %slice3A_351[0] : i32 from vector<1xi32>
      %multiple_of3A_353 = tpu.assume_multiple %squeeze3A_352, 128 : i32
      %slice3A_354 = vector.extract_strided_slice %mul3A_33 {offsets = [10], sizes = [1], strides = [1]} : vector<16xi32> to vector<1xi32>
      %squeeze3A_355 = vector.extract %slice3A_354[0] : i32 from vector<1xi32>
      %multiple_of3A_356 = tpu.assume_multiple %squeeze3A_355, 128 : i32
      %dma_start3A_357 = arith.constant 10 : i32
      %dma_start3A_358 = arith.constant 0 : i32
      %dma_start3A_359 = arith.constant 0 : i32
      %dma_start3A_360 = tpu.memref_slice %arg9[%dma_start3A_357, %dma_start3A_358, %dma_start3A_359] : memref<16x16x128xf32, #tpu.memory_space<vmem>> -> memref<1x16x128xf32, #tpu.memory_space<vmem>>
      %dma_start3A_361 = tpu.memref_squeeze %dma_start3A_360 : memref<1x16x128xf32, #tpu.memory_space<vmem>> -> memref<16x128xf32, #tpu.memory_space<vmem>>
      %dma_start3A_362 = arith.constant 0 : i32
      %dma_start3A_363 = tpu.memref_slice %arg4[%dma_start3A_362, %multiple_of3A_353] : memref<16x1000000xf32, #tpu.memory_space<hbm>> -> memref<16x128xf32, #tpu.memory_space<hbm>>
      %dma_start3A_364 = arith.constant 0 : i32
      %dma_start3A_365 = arith.constant 0 : i32
      %dma_start3A_366 = tpu.memref_slice %arg9[%dma_start3A_357, %dma_start3A_364, %dma_start3A_365] : memref<16x16x128xf32, #tpu.memory_space<vmem>> -> memref<1x16x128xf32, #tpu.memory_space<vmem>>
      %dma_start3A_367 = tpu.memref_squeeze %dma_start3A_366 : memref<1x16x128xf32, #tpu.memory_space<vmem>> -> memref<16x128xf32, #tpu.memory_space<vmem>>
      %dma_start3A_368 = arith.constant 0 : i32
      %dma_start3A_369 = tpu.memref_slice %arg4[%dma_start3A_368, %multiple_of3A_353] : memref<16x1000000xf32, #tpu.memory_space<hbm>> -> memref<16x128xf32, #tpu.memory_space<hbm>>
      tpu.enqueue_dma source(%dma_start3A_369 : memref<16x128xf32, #tpu.memory_space<hbm>>) target(%dma_start3A_367 : memref<16x128xf32, #tpu.memory_space<vmem>>) target_semaphore(%arg12 : memref<!tpu.dma_semaphore, #tpu.memory_space<semaphore_mem>>)
      %dma_start3A_370 = arith.constant 10 : i32
      %dma_start3A_371 = arith.constant 0 : i32
      %dma_start3A_372 = arith.constant 0 : i32
      %dma_start3A_373 = tpu.memref_slice %arg10[%dma_start3A_370, %dma_start3A_371, %dma_start3A_372] : memref<16x16x128xf32, #tpu.memory_space<vmem>> -> memref<1x16x128xf32, #tpu.memory_space<vmem>>
      %dma_start3A_374 = tpu.memref_squeeze %dma_start3A_373 : memref<1x16x128xf32, #tpu.memory_space<vmem>> -> memref<16x128xf32, #tpu.memory_space<vmem>>
      %dma_start3A_375 = arith.constant 0 : i32
      %dma_start3A_376 = tpu.memref_slice %arg5[%dma_start3A_375, %multiple_of3A_356] : memref<16x1000000xf32, #tpu.memory_space<hbm>> -> memref<16x128xf32, #tpu.memory_space<hbm>>
      %dma_start3A_377 = arith.constant 0 : i32
      %dma_start3A_378 = arith.constant 0 : i32
      %dma_start3A_379 = tpu.memref_slice %arg10[%dma_start3A_370, %dma_start3A_377, %dma_start3A_378] : memref<16x16x128xf32, #tpu.memory_space<vmem>> -> memref<1x16x128xf32, #tpu.memory_space<vmem>>
      %dma_start3A_380 = tpu.memref_squeeze %dma_start3A_379 : memref<1x16x128xf32, #tpu.memory_space<vmem>> -> memref<16x128xf32, #tpu.memory_space<vmem>>
      %dma_start3A_381 = arith.constant 0 : i32
      %dma_start3A_382 = tpu.memref_slice %arg5[%dma_start3A_381, %multiple_of3A_356] : memref<16x1000000xf32, #tpu.memory_space<hbm>> -> memref<16x128xf32, #tpu.memory_space<hbm>>
      tpu.enqueue_dma source(%dma_start3A_382 : memref<16x128xf32, #tpu.memory_space<hbm>>) target(%dma_start3A_380 : memref<16x128xf32, #tpu.memory_space<vmem>>) target_semaphore(%arg12 : memref<!tpu.dma_semaphore, #tpu.memory_space<semaphore_mem>>)
      %slice3A_383 = vector.extract_strided_slice %mul3A_27 {offsets = [11], sizes = [1], strides = [1]} : vector<16xi32> to vector<1xi32>
      %squeeze3A_384 = vector.extract %slice3A_383[0] : i32 from vector<1xi32>
      %multiple_of3A_385 = tpu.assume_multiple %squeeze3A_384, 128 : i32
      %slice3A_386 = vector.extract_strided_slice %mul3A_33 {offsets = [11], sizes = [1], strides = [1]} : vector<16xi32> to vector<1xi32>
      %squeeze3A_387 = vector.extract %slice3A_386[0] : i32 from vector<1xi32>
      %multiple_of3A_388 = tpu.assume_multiple %squeeze3A_387, 128 : i32
      %dma_start3A_389 = arith.constant 11 : i32
      %dma_start3A_390 = arith.constant 0 : i32
      %dma_start3A_391 = arith.constant 0 : i32
      %dma_start3A_392 = tpu.memref_slice %arg9[%dma_start3A_389, %dma_start3A_390, %dma_start3A_391] : memref<16x16x128xf32, #tpu.memory_space<vmem>> -> memref<1x16x128xf32, #tpu.memory_space<vmem>>
      %dma_start3A_393 = tpu.memref_squeeze %dma_start3A_392 : memref<1x16x128xf32, #tpu.memory_space<vmem>> -> memref<16x128xf32, #tpu.memory_space<vmem>>
      %dma_start3A_394 = arith.constant 0 : i32
      %dma_start3A_395 = tpu.memref_slice %arg4[%dma_start3A_394, %multiple_of3A_385] : memref<16x1000000xf32, #tpu.memory_space<hbm>> -> memref<16x128xf32, #tpu.memory_space<hbm>>
      %dma_start3A_396 = arith.constant 0 : i32
      %dma_start3A_397 = arith.constant 0 : i32
      %dma_start3A_398 = tpu.memref_slice %arg9[%dma_start3A_389, %dma_start3A_396, %dma_start3A_397] : memref<16x16x128xf32, #tpu.memory_space<vmem>> -> memref<1x16x128xf32, #tpu.memory_space<vmem>>
      %dma_start3A_399 = tpu.memref_squeeze %dma_start3A_398 : memref<1x16x128xf32, #tpu.memory_space<vmem>> -> memref<16x128xf32, #tpu.memory_space<vmem>>
      %dma_start3A_400 = arith.constant 0 : i32
      %dma_start3A_401 = tpu.memref_slice %arg4[%dma_start3A_400, %multiple_of3A_385] : memref<16x1000000xf32, #tpu.memory_space<hbm>> -> memref<16x128xf32, #tpu.memory_space<hbm>>
      tpu.enqueue_dma source(%dma_start3A_401 : memref<16x128xf32, #tpu.memory_space<hbm>>) target(%dma_start3A_399 : memref<16x128xf32, #tpu.memory_space<vmem>>) target_semaphore(%arg12 : memref<!tpu.dma_semaphore, #tpu.memory_space<semaphore_mem>>)
      %dma_start3A_402 = arith.constant 11 : i32
      %dma_start3A_403 = arith.constant 0 : i32
      %dma_start3A_404 = arith.constant 0 : i32
      %dma_start3A_405 = tpu.memref_slice %arg10[%dma_start3A_402, %dma_start3A_403, %dma_start3A_404] : memref<16x16x128xf32, #tpu.memory_space<vmem>> -> memref<1x16x128xf32, #tpu.memory_space<vmem>>
      %dma_start3A_406 = tpu.memref_squeeze %dma_start3A_405 : memref<1x16x128xf32, #tpu.memory_space<vmem>> -> memref<16x128xf32, #tpu.memory_space<vmem>>
      %dma_start3A_407 = arith.constant 0 : i32
      %dma_start3A_408 = tpu.memref_slice %arg5[%dma_start3A_407, %multiple_of3A_388] : memref<16x1000000xf32, #tpu.memory_space<hbm>> -> memref<16x128xf32, #tpu.memory_space<hbm>>
      %dma_start3A_409 = arith.constant 0 : i32
      %dma_start3A_410 = arith.constant 0 : i32
      %dma_start3A_411 = tpu.memref_slice %arg10[%dma_start3A_402, %dma_start3A_409, %dma_start3A_410] : memref<16x16x128xf32, #tpu.memory_space<vmem>> -> memref<1x16x128xf32, #tpu.memory_space<vmem>>
      %dma_start3A_412 = tpu.memref_squeeze %dma_start3A_411 : memref<1x16x128xf32, #tpu.memory_space<vmem>> -> memref<16x128xf32, #tpu.memory_space<vmem>>
      %dma_start3A_413 = arith.constant 0 : i32
      %dma_start3A_414 = tpu.memref_slice %arg5[%dma_start3A_413, %multiple_of3A_388] : memref<16x1000000xf32, #tpu.memory_space<hbm>> -> memref<16x128xf32, #tpu.memory_space<hbm>>
      tpu.enqueue_dma source(%dma_start3A_414 : memref<16x128xf32, #tpu.memory_space<hbm>>) target(%dma_start3A_412 : memref<16x128xf32, #tpu.memory_space<vmem>>) target_semaphore(%arg12 : memref<!tpu.dma_semaphore, #tpu.memory_space<semaphore_mem>>)
      %slice3A_415 = vector.extract_strided_slice %mul3A_27 {offsets = [12], sizes = [1], strides = [1]} : vector<16xi32> to vector<1xi32>
      %squeeze3A_416 = vector.extract %slice3A_415[0] : i32 from vector<1xi32>
      %multiple_of3A_417 = tpu.assume_multiple %squeeze3A_416, 128 : i32
      %slice3A_418 = vector.extract_strided_slice %mul3A_33 {offsets = [12], sizes = [1], strides = [1]} : vector<16xi32> to vector<1xi32>
      %squeeze3A_419 = vector.extract %slice3A_418[0] : i32 from vector<1xi32>
      %multiple_of3A_420 = tpu.assume_multiple %squeeze3A_419, 128 : i32
      %dma_start3A_421 = arith.constant 12 : i32
      %dma_start3A_422 = arith.constant 0 : i32
      %dma_start3A_423 = arith.constant 0 : i32
      %dma_start3A_424 = tpu.memref_slice %arg9[%dma_start3A_421, %dma_start3A_422, %dma_start3A_423] : memref<16x16x128xf32, #tpu.memory_space<vmem>> -> memref<1x16x128xf32, #tpu.memory_space<vmem>>
      %dma_start3A_425 = tpu.memref_squeeze %dma_start3A_424 : memref<1x16x128xf32, #tpu.memory_space<vmem>> -> memref<16x128xf32, #tpu.memory_space<vmem>>
      %dma_start3A_426 = arith.constant 0 : i32
      %dma_start3A_427 = tpu.memref_slice %arg4[%dma_start3A_426, %multiple_of3A_417] : memref<16x1000000xf32, #tpu.memory_space<hbm>> -> memref<16x128xf32, #tpu.memory_space<hbm>>
      %dma_start3A_428 = arith.constant 0 : i32
      %dma_start3A_429 = arith.constant 0 : i32
      %dma_start3A_430 = tpu.memref_slice %arg9[%dma_start3A_421, %dma_start3A_428, %dma_start3A_429] : memref<16x16x128xf32, #tpu.memory_space<vmem>> -> memref<1x16x128xf32, #tpu.memory_space<vmem>>
      %dma_start3A_431 = tpu.memref_squeeze %dma_start3A_430 : memref<1x16x128xf32, #tpu.memory_space<vmem>> -> memref<16x128xf32, #tpu.memory_space<vmem>>
      %dma_start3A_432 = arith.constant 0 : i32
      %dma_start3A_433 = tpu.memref_slice %arg4[%dma_start3A_432, %multiple_of3A_417] : memref<16x1000000xf32, #tpu.memory_space<hbm>> -> memref<16x128xf32, #tpu.memory_space<hbm>>
      tpu.enqueue_dma source(%dma_start3A_433 : memref<16x128xf32, #tpu.memory_space<hbm>>) target(%dma_start3A_431 : memref<16x128xf32, #tpu.memory_space<vmem>>) target_semaphore(%arg12 : memref<!tpu.dma_semaphore, #tpu.memory_space<semaphore_mem>>)
      %dma_start3A_434 = arith.constant 12 : i32
      %dma_start3A_435 = arith.constant 0 : i32
      %dma_start3A_436 = arith.constant 0 : i32
      %dma_start3A_437 = tpu.memref_slice %arg10[%dma_start3A_434, %dma_start3A_435, %dma_start3A_436] : memref<16x16x128xf32, #tpu.memory_space<vmem>> -> memref<1x16x128xf32, #tpu.memory_space<vmem>>
      %dma_start3A_438 = tpu.memref_squeeze %dma_start3A_437 : memref<1x16x128xf32, #tpu.memory_space<vmem>> -> memref<16x128xf32, #tpu.memory_space<vmem>>
      %dma_start3A_439 = arith.constant 0 : i32
      %dma_start3A_440 = tpu.memref_slice %arg5[%dma_start3A_439, %multiple_of3A_420] : memref<16x1000000xf32, #tpu.memory_space<hbm>> -> memref<16x128xf32, #tpu.memory_space<hbm>>
      %dma_start3A_441 = arith.constant 0 : i32
      %dma_start3A_442 = arith.constant 0 : i32
      %dma_start3A_443 = tpu.memref_slice %arg10[%dma_start3A_434, %dma_start3A_441, %dma_start3A_442] : memref<16x16x128xf32, #tpu.memory_space<vmem>> -> memref<1x16x128xf32, #tpu.memory_space<vmem>>
      %dma_start3A_444 = tpu.memref_squeeze %dma_start3A_443 : memref<1x16x128xf32, #tpu.memory_space<vmem>> -> memref<16x128xf32, #tpu.memory_space<vmem>>
      %dma_start3A_445 = arith.constant 0 : i32
      %dma_start3A_446 = tpu.memref_slice %arg5[%dma_start3A_445, %multiple_of3A_420] : memref<16x1000000xf32, #tpu.memory_space<hbm>> -> memref<16x128xf32, #tpu.memory_space<hbm>>
      tpu.enqueue_dma source(%dma_start3A_446 : memref<16x128xf32, #tpu.memory_space<hbm>>) target(%dma_start3A_444 : memref<16x128xf32, #tpu.memory_space<vmem>>) target_semaphore(%arg12 : memref<!tpu.dma_semaphore, #tpu.memory_space<semaphore_mem>>)
      %slice3A_447 = vector.extract_strided_slice %mul3A_27 {offsets = [13], sizes = [1], strides = [1]} : vector<16xi32> to vector<1xi32>
      %squeeze3A_448 = vector.extract %slice3A_447[0] : i32 from vector<1xi32>
      %multiple_of3A_449 = tpu.assume_multiple %squeeze3A_448, 128 : i32
      %slice3A_450 = vector.extract_strided_slice %mul3A_33 {offsets = [13], sizes = [1], strides = [1]} : vector<16xi32> to vector<1xi32>
      %squeeze3A_451 = vector.extract %slice3A_450[0] : i32 from vector<1xi32>
      %multiple_of3A_452 = tpu.assume_multiple %squeeze3A_451, 128 : i32
      %dma_start3A_453 = arith.constant 13 : i32
      %dma_start3A_454 = arith.constant 0 : i32
      %dma_start3A_455 = arith.constant 0 : i32
      %dma_start3A_456 = tpu.memref_slice %arg9[%dma_start3A_453, %dma_start3A_454, %dma_start3A_455] : memref<16x16x128xf32, #tpu.memory_space<vmem>> -> memref<1x16x128xf32, #tpu.memory_space<vmem>>
      %dma_start3A_457 = tpu.memref_squeeze %dma_start3A_456 : memref<1x16x128xf32, #tpu.memory_space<vmem>> -> memref<16x128xf32, #tpu.memory_space<vmem>>
      %dma_start3A_458 = arith.constant 0 : i32
      %dma_start3A_459 = tpu.memref_slice %arg4[%dma_start3A_458, %multiple_of3A_449] : memref<16x1000000xf32, #tpu.memory_space<hbm>> -> memref<16x128xf32, #tpu.memory_space<hbm>>
      %dma_start3A_460 = arith.constant 0 : i32
      %dma_start3A_461 = arith.constant 0 : i32
      %dma_start3A_462 = tpu.memref_slice %arg9[%dma_start3A_453, %dma_start3A_460, %dma_start3A_461] : memref<16x16x128xf32, #tpu.memory_space<vmem>> -> memref<1x16x128xf32, #tpu.memory_space<vmem>>
      %dma_start3A_463 = tpu.memref_squeeze %dma_start3A_462 : memref<1x16x128xf32, #tpu.memory_space<vmem>> -> memref<16x128xf32, #tpu.memory_space<vmem>>
      %dma_start3A_464 = arith.constant 0 : i32
      %dma_start3A_465 = tpu.memref_slice %arg4[%dma_start3A_464, %multiple_of3A_449] : memref<16x1000000xf32, #tpu.memory_space<hbm>> -> memref<16x128xf32, #tpu.memory_space<hbm>>
      tpu.enqueue_dma source(%dma_start3A_465 : memref<16x128xf32, #tpu.memory_space<hbm>>) target(%dma_start3A_463 : memref<16x128xf32, #tpu.memory_space<vmem>>) target_semaphore(%arg12 : memref<!tpu.dma_semaphore, #tpu.memory_space<semaphore_mem>>)
      %dma_start3A_466 = arith.constant 13 : i32
      %dma_start3A_467 = arith.constant 0 : i32
      %dma_start3A_468 = arith.constant 0 : i32
      %dma_start3A_469 = tpu.memref_slice %arg10[%dma_start3A_466, %dma_start3A_467, %dma_start3A_468] : memref<16x16x128xf32, #tpu.memory_space<vmem>> -> memref<1x16x128xf32, #tpu.memory_space<vmem>>
      %dma_start3A_470 = tpu.memref_squeeze %dma_start3A_469 : memref<1x16x128xf32, #tpu.memory_space<vmem>> -> memref<16x128xf32, #tpu.memory_space<vmem>>
      %dma_start3A_471 = arith.constant 0 : i32
      %dma_start3A_472 = tpu.memref_slice %arg5[%dma_start3A_471, %multiple_of3A_452] : memref<16x1000000xf32, #tpu.memory_space<hbm>> -> memref<16x128xf32, #tpu.memory_space<hbm>>
      %dma_start3A_473 = arith.constant 0 : i32
      %dma_start3A_474 = arith.constant 0 : i32
      %dma_start3A_475 = tpu.memref_slice %arg10[%dma_start3A_466, %dma_start3A_473, %dma_start3A_474] : memref<16x16x128xf32, #tpu.memory_space<vmem>> -> memref<1x16x128xf32, #tpu.memory_space<vmem>>
      %dma_start3A_476 = tpu.memref_squeeze %dma_start3A_475 : memref<1x16x128xf32, #tpu.memory_space<vmem>> -> memref<16x128xf32, #tpu.memory_space<vmem>>
      %dma_start3A_477 = arith.constant 0 : i32
      %dma_start3A_478 = tpu.memref_slice %arg5[%dma_start3A_477, %multiple_of3A_452] : memref<16x1000000xf32, #tpu.memory_space<hbm>> -> memref<16x128xf32, #tpu.memory_space<hbm>>
      tpu.enqueue_dma source(%dma_start3A_478 : memref<16x128xf32, #tpu.memory_space<hbm>>) target(%dma_start3A_476 : memref<16x128xf32, #tpu.memory_space<vmem>>) target_semaphore(%arg12 : memref<!tpu.dma_semaphore, #tpu.memory_space<semaphore_mem>>)
      %slice3A_479 = vector.extract_strided_slice %mul3A_27 {offsets = [14], sizes = [1], strides = [1]} : vector<16xi32> to vector<1xi32>
      %squeeze3A_480 = vector.extract %slice3A_479[0] : i32 from vector<1xi32>
      %multiple_of3A_481 = tpu.assume_multiple %squeeze3A_480, 128 : i32
      %slice3A_482 = vector.extract_strided_slice %mul3A_33 {offsets = [14], sizes = [1], strides = [1]} : vector<16xi32> to vector<1xi32>
      %squeeze3A_483 = vector.extract %slice3A_482[0] : i32 from vector<1xi32>
      %multiple_of3A_484 = tpu.assume_multiple %squeeze3A_483, 128 : i32
      %dma_start3A_485 = arith.constant 14 : i32
      %dma_start3A_486 = arith.constant 0 : i32
      %dma_start3A_487 = arith.constant 0 : i32
      %dma_start3A_488 = tpu.memref_slice %arg9[%dma_start3A_485, %dma_start3A_486, %dma_start3A_487] : memref<16x16x128xf32, #tpu.memory_space<vmem>> -> memref<1x16x128xf32, #tpu.memory_space<vmem>>
      %dma_start3A_489 = tpu.memref_squeeze %dma_start3A_488 : memref<1x16x128xf32, #tpu.memory_space<vmem>> -> memref<16x128xf32, #tpu.memory_space<vmem>>
      %dma_start3A_490 = arith.constant 0 : i32
      %dma_start3A_491 = tpu.memref_slice %arg4[%dma_start3A_490, %multiple_of3A_481] : memref<16x1000000xf32, #tpu.memory_space<hbm>> -> memref<16x128xf32, #tpu.memory_space<hbm>>
      %dma_start3A_492 = arith.constant 0 : i32
      %dma_start3A_493 = arith.constant 0 : i32
      %dma_start3A_494 = tpu.memref_slice %arg9[%dma_start3A_485, %dma_start3A_492, %dma_start3A_493] : memref<16x16x128xf32, #tpu.memory_space<vmem>> -> memref<1x16x128xf32, #tpu.memory_space<vmem>>
      %dma_start3A_495 = tpu.memref_squeeze %dma_start3A_494 : memref<1x16x128xf32, #tpu.memory_space<vmem>> -> memref<16x128xf32, #tpu.memory_space<vmem>>
      %dma_start3A_496 = arith.constant 0 : i32
      %dma_start3A_497 = tpu.memref_slice %arg4[%dma_start3A_496, %multiple_of3A_481] : memref<16x1000000xf32, #tpu.memory_space<hbm>> -> memref<16x128xf32, #tpu.memory_space<hbm>>
      tpu.enqueue_dma source(%dma_start3A_497 : memref<16x128xf32, #tpu.memory_space<hbm>>) target(%dma_start3A_495 : memref<16x128xf32, #tpu.memory_space<vmem>>) target_semaphore(%arg12 : memref<!tpu.dma_semaphore, #tpu.memory_space<semaphore_mem>>)
      %dma_start3A_498 = arith.constant 14 : i32
      %dma_start3A_499 = arith.constant 0 : i32
      %dma_start3A_500 = arith.constant 0 : i32
      %dma_start3A_501 = tpu.memref_slice %arg10[%dma_start3A_498, %dma_start3A_499, %dma_start3A_500] : memref<16x16x128xf32, #tpu.memory_space<vmem>> -> memref<1x16x128xf32, #tpu.memory_space<vmem>>
      %dma_start3A_502 = tpu.memref_squeeze %dma_start3A_501 : memref<1x16x128xf32, #tpu.memory_space<vmem>> -> memref<16x128xf32, #tpu.memory_space<vmem>>
      %dma_start3A_503 = arith.constant 0 : i32
      %dma_start3A_504 = tpu.memref_slice %arg5[%dma_start3A_503, %multiple_of3A_484] : memref<16x1000000xf32, #tpu.memory_space<hbm>> -> memref<16x128xf32, #tpu.memory_space<hbm>>
      %dma_start3A_505 = arith.constant 0 : i32
      %dma_start3A_506 = arith.constant 0 : i32
      %dma_start3A_507 = tpu.memref_slice %arg10[%dma_start3A_498, %dma_start3A_505, %dma_start3A_506] : memref<16x16x128xf32, #tpu.memory_space<vmem>> -> memref<1x16x128xf32, #tpu.memory_space<vmem>>
      %dma_start3A_508 = tpu.memref_squeeze %dma_start3A_507 : memref<1x16x128xf32, #tpu.memory_space<vmem>> -> memref<16x128xf32, #tpu.memory_space<vmem>>
      %dma_start3A_509 = arith.constant 0 : i32
      %dma_start3A_510 = tpu.memref_slice %arg5[%dma_start3A_509, %multiple_of3A_484] : memref<16x1000000xf32, #tpu.memory_space<hbm>> -> memref<16x128xf32, #tpu.memory_space<hbm>>
      tpu.enqueue_dma source(%dma_start3A_510 : memref<16x128xf32, #tpu.memory_space<hbm>>) target(%dma_start3A_508 : memref<16x128xf32, #tpu.memory_space<vmem>>) target_semaphore(%arg12 : memref<!tpu.dma_semaphore, #tpu.memory_space<semaphore_mem>>)
      %slice3A_511 = vector.extract_strided_slice %mul3A_27 {offsets = [15], sizes = [1], strides = [1]} : vector<16xi32> to vector<1xi32>
      %squeeze3A_512 = vector.extract %slice3A_511[0] : i32 from vector<1xi32>
      %multiple_of3A_513 = tpu.assume_multiple %squeeze3A_512, 128 : i32
      %slice3A_514 = vector.extract_strided_slice %mul3A_33 {offsets = [15], sizes = [1], strides = [1]} : vector<16xi32> to vector<1xi32>
      %squeeze3A_515 = vector.extract %slice3A_514[0] : i32 from vector<1xi32>
      %multiple_of3A_516 = tpu.assume_multiple %squeeze3A_515, 128 : i32
      %dma_start3A_517 = arith.constant 15 : i32
      %dma_start3A_518 = arith.constant 0 : i32
      %dma_start3A_519 = arith.constant 0 : i32
      %dma_start3A_520 = tpu.memref_slice %arg9[%dma_start3A_517, %dma_start3A_518, %dma_start3A_519] : memref<16x16x128xf32, #tpu.memory_space<vmem>> -> memref<1x16x128xf32, #tpu.memory_space<vmem>>
      %dma_start3A_521 = tpu.memref_squeeze %dma_start3A_520 : memref<1x16x128xf32, #tpu.memory_space<vmem>> -> memref<16x128xf32, #tpu.memory_space<vmem>>
      %dma_start3A_522 = arith.constant 0 : i32
      %dma_start3A_523 = tpu.memref_slice %arg4[%dma_start3A_522, %multiple_of3A_513] : memref<16x1000000xf32, #tpu.memory_space<hbm>> -> memref<16x128xf32, #tpu.memory_space<hbm>>
      %dma_start3A_524 = arith.constant 0 : i32
      %dma_start3A_525 = arith.constant 0 : i32
      %dma_start3A_526 = tpu.memref_slice %arg9[%dma_start3A_517, %dma_start3A_524, %dma_start3A_525] : memref<16x16x128xf32, #tpu.memory_space<vmem>> -> memref<1x16x128xf32, #tpu.memory_space<vmem>>
      %dma_start3A_527 = tpu.memref_squeeze %dma_start3A_526 : memref<1x16x128xf32, #tpu.memory_space<vmem>> -> memref<16x128xf32, #tpu.memory_space<vmem>>
      %dma_start3A_528 = arith.constant 0 : i32
      %dma_start3A_529 = tpu.memref_slice %arg4[%dma_start3A_528, %multiple_of3A_513] : memref<16x1000000xf32, #tpu.memory_space<hbm>> -> memref<16x128xf32, #tpu.memory_space<hbm>>
      tpu.enqueue_dma source(%dma_start3A_529 : memref<16x128xf32, #tpu.memory_space<hbm>>) target(%dma_start3A_527 : memref<16x128xf32, #tpu.memory_space<vmem>>) target_semaphore(%arg12 : memref<!tpu.dma_semaphore, #tpu.memory_space<semaphore_mem>>)
      %dma_start3A_530 = arith.constant 15 : i32
      %dma_start3A_531 = arith.constant 0 : i32
      %dma_start3A_532 = arith.constant 0 : i32
      %dma_start3A_533 = tpu.memref_slice %arg10[%dma_start3A_530, %dma_start3A_531, %dma_start3A_532] : memref<16x16x128xf32, #tpu.memory_space<vmem>> -> memref<1x16x128xf32, #tpu.memory_space<vmem>>
      %dma_start3A_534 = tpu.memref_squeeze %dma_start3A_533 : memref<1x16x128xf32, #tpu.memory_space<vmem>> -> memref<16x128xf32, #tpu.memory_space<vmem>>
      %dma_start3A_535 = arith.constant 0 : i32
      %dma_start3A_536 = tpu.memref_slice %arg5[%dma_start3A_535, %multiple_of3A_516] : memref<16x1000000xf32, #tpu.memory_space<hbm>> -> memref<16x128xf32, #tpu.memory_space<hbm>>
      %dma_start3A_537 = arith.constant 0 : i32
      %dma_start3A_538 = arith.constant 0 : i32
      %dma_start3A_539 = tpu.memref_slice %arg10[%dma_start3A_530, %dma_start3A_537, %dma_start3A_538] : memref<16x16x128xf32, #tpu.memory_space<vmem>> -> memref<1x16x128xf32, #tpu.memory_space<vmem>>
      %dma_start3A_540 = tpu.memref_squeeze %dma_start3A_539 : memref<1x16x128xf32, #tpu.memory_space<vmem>> -> memref<16x128xf32, #tpu.memory_space<vmem>>
      %dma_start3A_541 = arith.constant 0 : i32
      %dma_start3A_542 = tpu.memref_slice %arg5[%dma_start3A_541, %multiple_of3A_516] : memref<16x1000000xf32, #tpu.memory_space<hbm>> -> memref<16x128xf32, #tpu.memory_space<hbm>>
      tpu.enqueue_dma source(%dma_start3A_542 : memref<16x128xf32, #tpu.memory_space<hbm>>) target(%dma_start3A_540 : memref<16x128xf32, #tpu.memory_space<vmem>>) target_semaphore(%arg12 : memref<!tpu.dma_semaphore, #tpu.memory_space<semaphore_mem>>)
      %dma_wait3A_543 = arith.constant 0 : i32
      %dma_wait3A_544 = arith.constant 0 : i32
      %dma_wait3A_545 = arith.constant 0 : i32
      %dma_wait3A_546 = tpu.memref_slice %arg9[%dma_wait3A_543, %dma_wait3A_544, %dma_wait3A_545] : memref<16x16x128xf32, #tpu.memory_space<vmem>> -> memref<1x16x128xf32, #tpu.memory_space<vmem>>
      %dma_wait3A_547 = tpu.memref_squeeze %dma_wait3A_546 : memref<1x16x128xf32, #tpu.memory_space<vmem>> -> memref<16x128xf32, #tpu.memory_space<vmem>>
      %dma_wait3A_548 = arith.constant 0 : i32
      %dma_wait3A_549 = tpu.memref_slice %arg4[%dma_wait3A_548, %multiple_of3A] : memref<16x1000000xf32, #tpu.memory_space<hbm>> -> memref<16x128xf32, #tpu.memory_space<hbm>>
      %dma_wait3A_550 = arith.constant 0 : i32
      %dma_wait3A_551 = arith.constant 0 : i32
      %dma_wait3A_552 = tpu.memref_slice %arg9[%dma_wait3A_543, %dma_wait3A_550, %dma_wait3A_551] : memref<16x16x128xf32, #tpu.memory_space<vmem>> -> memref<1x16x128xf32, #tpu.memory_space<vmem>>
      %dma_wait3A_553 = tpu.memref_squeeze %dma_wait3A_552 : memref<1x16x128xf32, #tpu.memory_space<vmem>> -> memref<16x128xf32, #tpu.memory_space<vmem>>
      %dma_wait3A_554 = arith.constant 0 : i32
      %dma_wait3A_555 = tpu.memref_slice %arg4[%dma_wait3A_554, %multiple_of3A] : memref<16x1000000xf32, #tpu.memory_space<hbm>> -> memref<16x128xf32, #tpu.memory_space<hbm>>
      tpu.wait_dma2 semaphore(%arg12 : memref<!tpu.dma_semaphore, #tpu.memory_space<semaphore_mem>>) src(%dma_wait3A_555 : memref<16x128xf32, #tpu.memory_space<hbm>>) dst(%dma_wait3A_553 : memref<16x128xf32, #tpu.memory_space<vmem>>)
      %dma_wait3A_556 = arith.constant 0 : i32
      %dma_wait3A_557 = arith.constant 0 : i32
      %dma_wait3A_558 = arith.constant 0 : i32
      %dma_wait3A_559 = tpu.memref_slice %arg10[%dma_wait3A_556, %dma_wait3A_557, %dma_wait3A_558] : memref<16x16x128xf32, #tpu.memory_space<vmem>> -> memref<1x16x128xf32, #tpu.memory_space<vmem>>
      %dma_wait3A_560 = tpu.memref_squeeze %dma_wait3A_559 : memref<1x16x128xf32, #tpu.memory_space<vmem>> -> memref<16x128xf32, #tpu.memory_space<vmem>>
      %dma_wait3A_561 = arith.constant 0 : i32
      %dma_wait3A_562 = tpu.memref_slice %arg5[%dma_wait3A_561, %multiple_of3A_36] : memref<16x1000000xf32, #tpu.memory_space<hbm>> -> memref<16x128xf32, #tpu.memory_space<hbm>>
      %dma_wait3A_563 = arith.constant 0 : i32
      %dma_wait3A_564 = arith.constant 0 : i32
      %dma_wait3A_565 = tpu.memref_slice %arg10[%dma_wait3A_556, %dma_wait3A_563, %dma_wait3A_564] : memref<16x16x128xf32, #tpu.memory_space<vmem>> -> memref<1x16x128xf32, #tpu.memory_space<vmem>>
      %dma_wait3A_566 = tpu.memref_squeeze %dma_wait3A_565 : memref<1x16x128xf32, #tpu.memory_space<vmem>> -> memref<16x128xf32, #tpu.memory_space<vmem>>
      %dma_wait3A_567 = arith.constant 0 : i32
      %dma_wait3A_568 = tpu.memref_slice %arg5[%dma_wait3A_567, %multiple_of3A_36] : memref<16x1000000xf32, #tpu.memory_space<hbm>> -> memref<16x128xf32, #tpu.memory_space<hbm>>
      tpu.wait_dma2 semaphore(%arg12 : memref<!tpu.dma_semaphore, #tpu.memory_space<semaphore_mem>>) src(%dma_wait3A_568 : memref<16x128xf32, #tpu.memory_space<hbm>>) dst(%dma_wait3A_566 : memref<16x128xf32, #tpu.memory_space<vmem>>)
      %dma_wait3A_569 = arith.constant 1 : i32
      %dma_wait3A_570 = arith.constant 0 : i32
      %dma_wait3A_571 = arith.constant 0 : i32
      %dma_wait3A_572 = tpu.memref_slice %arg9[%dma_wait3A_569, %dma_wait3A_570, %dma_wait3A_571] : memref<16x16x128xf32, #tpu.memory_space<vmem>> -> memref<1x16x128xf32, #tpu.memory_space<vmem>>
      %dma_wait3A_573 = tpu.memref_squeeze %dma_wait3A_572 : memref<1x16x128xf32, #tpu.memory_space<vmem>> -> memref<16x128xf32, #tpu.memory_space<vmem>>
      %dma_wait3A_574 = arith.constant 0 : i32
      %dma_wait3A_575 = tpu.memref_slice %arg4[%dma_wait3A_574, %multiple_of3A_65] : memref<16x1000000xf32, #tpu.memory_space<hbm>> -> memref<16x128xf32, #tpu.memory_space<hbm>>
      %dma_wait3A_576 = arith.constant 0 : i32
      %dma_wait3A_577 = arith.constant 0 : i32
      %dma_wait3A_578 = tpu.memref_slice %arg9[%dma_wait3A_569, %dma_wait3A_576, %dma_wait3A_577] : memref<16x16x128xf32, #tpu.memory_space<vmem>> -> memref<1x16x128xf32, #tpu.memory_space<vmem>>
      %dma_wait3A_579 = tpu.memref_squeeze %dma_wait3A_578 : memref<1x16x128xf32, #tpu.memory_space<vmem>> -> memref<16x128xf32, #tpu.memory_space<vmem>>
      %dma_wait3A_580 = arith.constant 0 : i32
      %dma_wait3A_581 = tpu.memref_slice %arg4[%dma_wait3A_580, %multiple_of3A_65] : memref<16x1000000xf32, #tpu.memory_space<hbm>> -> memref<16x128xf32, #tpu.memory_space<hbm>>
      tpu.wait_dma2 semaphore(%arg12 : memref<!tpu.dma_semaphore, #tpu.memory_space<semaphore_mem>>) src(%dma_wait3A_581 : memref<16x128xf32, #tpu.memory_space<hbm>>) dst(%dma_wait3A_579 : memref<16x128xf32, #tpu.memory_space<vmem>>)
      %dma_wait3A_582 = arith.constant 1 : i32
      %dma_wait3A_583 = arith.constant 0 : i32
      %dma_wait3A_584 = arith.constant 0 : i32
      %dma_wait3A_585 = tpu.memref_slice %arg10[%dma_wait3A_582, %dma_wait3A_583, %dma_wait3A_584] : memref<16x16x128xf32, #tpu.memory_space<vmem>> -> memref<1x16x128xf32, #tpu.memory_space<vmem>>
      %dma_wait3A_586 = tpu.memref_squeeze %dma_wait3A_585 : memref<1x16x128xf32, #tpu.memory_space<vmem>> -> memref<16x128xf32, #tpu.memory_space<vmem>>
      %dma_wait3A_587 = arith.constant 0 : i32
      %dma_wait3A_588 = tpu.memref_slice %arg5[%dma_wait3A_587, %multiple_of3A_68] : memref<16x1000000xf32, #tpu.memory_space<hbm>> -> memref<16x128xf32, #tpu.memory_space<hbm>>
      %dma_wait3A_589 = arith.constant 0 : i32
      %dma_wait3A_590 = arith.constant 0 : i32
      %dma_wait3A_591 = tpu.memref_slice %arg10[%dma_wait3A_582, %dma_wait3A_589, %dma_wait3A_590] : memref<16x16x128xf32, #tpu.memory_space<vmem>> -> memref<1x16x128xf32, #tpu.memory_space<vmem>>
      %dma_wait3A_592 = tpu.memref_squeeze %dma_wait3A_591 : memref<1x16x128xf32, #tpu.memory_space<vmem>> -> memref<16x128xf32, #tpu.memory_space<vmem>>
      %dma_wait3A_593 = arith.constant 0 : i32
      %dma_wait3A_594 = tpu.memref_slice %arg5[%dma_wait3A_593, %multiple_of3A_68] : memref<16x1000000xf32, #tpu.memory_space<hbm>> -> memref<16x128xf32, #tpu.memory_space<hbm>>
      tpu.wait_dma2 semaphore(%arg12 : memref<!tpu.dma_semaphore, #tpu.memory_space<semaphore_mem>>) src(%dma_wait3A_594 : memref<16x128xf32, #tpu.memory_space<hbm>>) dst(%dma_wait3A_592 : memref<16x128xf32, #tpu.memory_space<vmem>>)
      %dma_wait3A_595 = arith.constant 2 : i32
      %dma_wait3A_596 = arith.constant 0 : i32
      %dma_wait3A_597 = arith.constant 0 : i32
      %dma_wait3A_598 = tpu.memref_slice %arg9[%dma_wait3A_595, %dma_wait3A_596, %dma_wait3A_597] : memref<16x16x128xf32, #tpu.memory_space<vmem>> -> memref<1x16x128xf32, #tpu.memory_space<vmem>>
      %dma_wait3A_599 = tpu.memref_squeeze %dma_wait3A_598 : memref<1x16x128xf32, #tpu.memory_space<vmem>> -> memref<16x128xf32, #tpu.memory_space<vmem>>
      %dma_wait3A_600 = arith.constant 0 : i32
      %dma_wait3A_601 = tpu.memref_slice %arg4[%dma_wait3A_600, %multiple_of3A_97] : memref<16x1000000xf32, #tpu.memory_space<hbm>> -> memref<16x128xf32, #tpu.memory_space<hbm>>
      %dma_wait3A_602 = arith.constant 0 : i32
      %dma_wait3A_603 = arith.constant 0 : i32
      %dma_wait3A_604 = tpu.memref_slice %arg9[%dma_wait3A_595, %dma_wait3A_602, %dma_wait3A_603] : memref<16x16x128xf32, #tpu.memory_space<vmem>> -> memref<1x16x128xf32, #tpu.memory_space<vmem>>
      %dma_wait3A_605 = tpu.memref_squeeze %dma_wait3A_604 : memref<1x16x128xf32, #tpu.memory_space<vmem>> -> memref<16x128xf32, #tpu.memory_space<vmem>>
      %dma_wait3A_606 = arith.constant 0 : i32
      %dma_wait3A_607 = tpu.memref_slice %arg4[%dma_wait3A_606, %multiple_of3A_97] : memref<16x1000000xf32, #tpu.memory_space<hbm>> -> memref<16x128xf32, #tpu.memory_space<hbm>>
      tpu.wait_dma2 semaphore(%arg12 : memref<!tpu.dma_semaphore, #tpu.memory_space<semaphore_mem>>) src(%dma_wait3A_607 : memref<16x128xf32, #tpu.memory_space<hbm>>) dst(%dma_wait3A_605 : memref<16x128xf32, #tpu.memory_space<vmem>>)
      %dma_wait3A_608 = arith.constant 2 : i32
      %dma_wait3A_609 = arith.constant 0 : i32
      %dma_wait3A_610 = arith.constant 0 : i32
      %dma_wait3A_611 = tpu.memref_slice %arg10[%dma_wait3A_608, %dma_wait3A_609, %dma_wait3A_610] : memref<16x16x128xf32, #tpu.memory_space<vmem>> -> memref<1x16x128xf32, #tpu.memory_space<vmem>>
      %dma_wait3A_612 = tpu.memref_squeeze %dma_wait3A_611 : memref<1x16x128xf32, #tpu.memory_space<vmem>> -> memref<16x128xf32, #tpu.memory_space<vmem>>
      %dma_wait3A_613 = arith.constant 0 : i32
      %dma_wait3A_614 = tpu.memref_slice %arg5[%dma_wait3A_613, %multiple_of3A_100] : memref<16x1000000xf32, #tpu.memory_space<hbm>> -> memref<16x128xf32, #tpu.memory_space<hbm>>
      %dma_wait3A_615 = arith.constant 0 : i32
      %dma_wait3A_616 = arith.constant 0 : i32
      %dma_wait3A_617 = tpu.memref_slice %arg10[%dma_wait3A_608, %dma_wait3A_615, %dma_wait3A_616] : memref<16x16x128xf32, #tpu.memory_space<vmem>> -> memref<1x16x128xf32, #tpu.memory_space<vmem>>
      %dma_wait3A_618 = tpu.memref_squeeze %dma_wait3A_617 : memref<1x16x128xf32, #tpu.memory_space<vmem>> -> memref<16x128xf32, #tpu.memory_space<vmem>>
      %dma_wait3A_619 = arith.constant 0 : i32
      %dma_wait3A_620 = tpu.memref_slice %arg5[%dma_wait3A_619, %multiple_of3A_100] : memref<16x1000000xf32, #tpu.memory_space<hbm>> -> memref<16x128xf32, #tpu.memory_space<hbm>>
      tpu.wait_dma2 semaphore(%arg12 : memref<!tpu.dma_semaphore, #tpu.memory_space<semaphore_mem>>) src(%dma_wait3A_620 : memref<16x128xf32, #tpu.memory_space<hbm>>) dst(%dma_wait3A_618 : memref<16x128xf32, #tpu.memory_space<vmem>>)
      %dma_wait3A_621 = arith.constant 3 : i32
      %dma_wait3A_622 = arith.constant 0 : i32
      %dma_wait3A_623 = arith.constant 0 : i32
      %dma_wait3A_624 = tpu.memref_slice %arg9[%dma_wait3A_621, %dma_wait3A_622, %dma_wait3A_623] : memref<16x16x128xf32, #tpu.memory_space<vmem>> -> memref<1x16x128xf32, #tpu.memory_space<vmem>>
      %dma_wait3A_625 = tpu.memref_squeeze %dma_wait3A_624 : memref<1x16x128xf32, #tpu.memory_space<vmem>> -> memref<16x128xf32, #tpu.memory_space<vmem>>
      %dma_wait3A_626 = arith.constant 0 : i32
      %dma_wait3A_627 = tpu.memref_slice %arg4[%dma_wait3A_626, %multiple_of3A_129] : memref<16x1000000xf32, #tpu.memory_space<hbm>> -> memref<16x128xf32, #tpu.memory_space<hbm>>
      %dma_wait3A_628 = arith.constant 0 : i32
      %dma_wait3A_629 = arith.constant 0 : i32
      %dma_wait3A_630 = tpu.memref_slice %arg9[%dma_wait3A_621, %dma_wait3A_628, %dma_wait3A_629] : memref<16x16x128xf32, #tpu.memory_space<vmem>> -> memref<1x16x128xf32, #tpu.memory_space<vmem>>
      %dma_wait3A_631 = tpu.memref_squeeze %dma_wait3A_630 : memref<1x16x128xf32, #tpu.memory_space<vmem>> -> memref<16x128xf32, #tpu.memory_space<vmem>>
      %dma_wait3A_632 = arith.constant 0 : i32
      %dma_wait3A_633 = tpu.memref_slice %arg4[%dma_wait3A_632, %multiple_of3A_129] : memref<16x1000000xf32, #tpu.memory_space<hbm>> -> memref<16x128xf32, #tpu.memory_space<hbm>>
      tpu.wait_dma2 semaphore(%arg12 : memref<!tpu.dma_semaphore, #tpu.memory_space<semaphore_mem>>) src(%dma_wait3A_633 : memref<16x128xf32, #tpu.memory_space<hbm>>) dst(%dma_wait3A_631 : memref<16x128xf32, #tpu.memory_space<vmem>>)
      %dma_wait3A_634 = arith.constant 3 : i32
      %dma_wait3A_635 = arith.constant 0 : i32
      %dma_wait3A_636 = arith.constant 0 : i32
      %dma_wait3A_637 = tpu.memref_slice %arg10[%dma_wait3A_634, %dma_wait3A_635, %dma_wait3A_636] : memref<16x16x128xf32, #tpu.memory_space<vmem>> -> memref<1x16x128xf32, #tpu.memory_space<vmem>>
      %dma_wait3A_638 = tpu.memref_squeeze %dma_wait3A_637 : memref<1x16x128xf32, #tpu.memory_space<vmem>> -> memref<16x128xf32, #tpu.memory_space<vmem>>
      %dma_wait3A_639 = arith.constant 0 : i32
      %dma_wait3A_640 = tpu.memref_slice %arg5[%dma_wait3A_639, %multiple_of3A_132] : memref<16x1000000xf32, #tpu.memory_space<hbm>> -> memref<16x128xf32, #tpu.memory_space<hbm>>
      %dma_wait3A_641 = arith.constant 0 : i32
      %dma_wait3A_642 = arith.constant 0 : i32
      %dma_wait3A_643 = tpu.memref_slice %arg10[%dma_wait3A_634, %dma_wait3A_641, %dma_wait3A_642] : memref<16x16x128xf32, #tpu.memory_space<vmem>> -> memref<1x16x128xf32, #tpu.memory_space<vmem>>
      %dma_wait3A_644 = tpu.memref_squeeze %dma_wait3A_643 : memref<1x16x128xf32, #tpu.memory_space<vmem>> -> memref<16x128xf32, #tpu.memory_space<vmem>>
      %dma_wait3A_645 = arith.constant 0 : i32
      %dma_wait3A_646 = tpu.memref_slice %arg5[%dma_wait3A_645, %multiple_of3A_132] : memref<16x1000000xf32, #tpu.memory_space<hbm>> -> memref<16x128xf32, #tpu.memory_space<hbm>>
      tpu.wait_dma2 semaphore(%arg12 : memref<!tpu.dma_semaphore, #tpu.memory_space<semaphore_mem>>) src(%dma_wait3A_646 : memref<16x128xf32, #tpu.memory_space<hbm>>) dst(%dma_wait3A_644 : memref<16x128xf32, #tpu.memory_space<vmem>>)
      %dma_wait3A_647 = arith.constant 4 : i32
      %dma_wait3A_648 = arith.constant 0 : i32
      %dma_wait3A_649 = arith.constant 0 : i32
      %dma_wait3A_650 = tpu.memref_slice %arg9[%dma_wait3A_647, %dma_wait3A_648, %dma_wait3A_649] : memref<16x16x128xf32, #tpu.memory_space<vmem>> -> memref<1x16x128xf32, #tpu.memory_space<vmem>>
      %dma_wait3A_651 = tpu.memref_squeeze %dma_wait3A_650 : memref<1x16x128xf32, #tpu.memory_space<vmem>> -> memref<16x128xf32, #tpu.memory_space<vmem>>
      %dma_wait3A_652 = arith.constant 0 : i32
      %dma_wait3A_653 = tpu.memref_slice %arg4[%dma_wait3A_652, %multiple_of3A_161] : memref<16x1000000xf32, #tpu.memory_space<hbm>> -> memref<16x128xf32, #tpu.memory_space<hbm>>
      %dma_wait3A_654 = arith.constant 0 : i32
      %dma_wait3A_655 = arith.constant 0 : i32
      %dma_wait3A_656 = tpu.memref_slice %arg9[%dma_wait3A_647, %dma_wait3A_654, %dma_wait3A_655] : memref<16x16x128xf32, #tpu.memory_space<vmem>> -> memref<1x16x128xf32, #tpu.memory_space<vmem>>
      %dma_wait3A_657 = tpu.memref_squeeze %dma_wait3A_656 : memref<1x16x128xf32, #tpu.memory_space<vmem>> -> memref<16x128xf32, #tpu.memory_space<vmem>>
      %dma_wait3A_658 = arith.constant 0 : i32
      %dma_wait3A_659 = tpu.memref_slice %arg4[%dma_wait3A_658, %multiple_of3A_161] : memref<16x1000000xf32, #tpu.memory_space<hbm>> -> memref<16x128xf32, #tpu.memory_space<hbm>>
      tpu.wait_dma2 semaphore(%arg12 : memref<!tpu.dma_semaphore, #tpu.memory_space<semaphore_mem>>) src(%dma_wait3A_659 : memref<16x128xf32, #tpu.memory_space<hbm>>) dst(%dma_wait3A_657 : memref<16x128xf32, #tpu.memory_space<vmem>>)
      %dma_wait3A_660 = arith.constant 4 : i32
      %dma_wait3A_661 = arith.constant 0 : i32
      %dma_wait3A_662 = arith.constant 0 : i32
      %dma_wait3A_663 = tpu.memref_slice %arg10[%dma_wait3A_660, %dma_wait3A_661, %dma_wait3A_662] : memref<16x16x128xf32, #tpu.memory_space<vmem>> -> memref<1x16x128xf32, #tpu.memory_space<vmem>>
      %dma_wait3A_664 = tpu.memref_squeeze %dma_wait3A_663 : memref<1x16x128xf32, #tpu.memory_space<vmem>> -> memref<16x128xf32, #tpu.memory_space<vmem>>
      %dma_wait3A_665 = arith.constant 0 : i32
      %dma_wait3A_666 = tpu.memref_slice %arg5[%dma_wait3A_665, %multiple_of3A_164] : memref<16x1000000xf32, #tpu.memory_space<hbm>> -> memref<16x128xf32, #tpu.memory_space<hbm>>
      %dma_wait3A_667 = arith.constant 0 : i32
      %dma_wait3A_668 = arith.constant 0 : i32
      %dma_wait3A_669 = tpu.memref_slice %arg10[%dma_wait3A_660, %dma_wait3A_667, %dma_wait3A_668] : memref<16x16x128xf32, #tpu.memory_space<vmem>> -> memref<1x16x128xf32, #tpu.memory_space<vmem>>
      %dma_wait3A_670 = tpu.memref_squeeze %dma_wait3A_669 : memref<1x16x128xf32, #tpu.memory_space<vmem>> -> memref<16x128xf32, #tpu.memory_space<vmem>>
      %dma_wait3A_671 = arith.constant 0 : i32
      %dma_wait3A_672 = tpu.memref_slice %arg5[%dma_wait3A_671, %multiple_of3A_164] : memref<16x1000000xf32, #tpu.memory_space<hbm>> -> memref<16x128xf32, #tpu.memory_space<hbm>>
      tpu.wait_dma2 semaphore(%arg12 : memref<!tpu.dma_semaphore, #tpu.memory_space<semaphore_mem>>) src(%dma_wait3A_672 : memref<16x128xf32, #tpu.memory_space<hbm>>) dst(%dma_wait3A_670 : memref<16x128xf32, #tpu.memory_space<vmem>>)
      %dma_wait3A_673 = arith.constant 5 : i32
      %dma_wait3A_674 = arith.constant 0 : i32
      %dma_wait3A_675 = arith.constant 0 : i32
      %dma_wait3A_676 = tpu.memref_slice %arg9[%dma_wait3A_673, %dma_wait3A_674, %dma_wait3A_675] : memref<16x16x128xf32, #tpu.memory_space<vmem>> -> memref<1x16x128xf32, #tpu.memory_space<vmem>>
      %dma_wait3A_677 = tpu.memref_squeeze %dma_wait3A_676 : memref<1x16x128xf32, #tpu.memory_space<vmem>> -> memref<16x128xf32, #tpu.memory_space<vmem>>
      %dma_wait3A_678 = arith.constant 0 : i32
      %dma_wait3A_679 = tpu.memref_slice %arg4[%dma_wait3A_678, %multiple_of3A_193] : memref<16x1000000xf32, #tpu.memory_space<hbm>> -> memref<16x128xf32, #tpu.memory_space<hbm>>
      %dma_wait3A_680 = arith.constant 0 : i32
      %dma_wait3A_681 = arith.constant 0 : i32
      %dma_wait3A_682 = tpu.memref_slice %arg9[%dma_wait3A_673, %dma_wait3A_680, %dma_wait3A_681] : memref<16x16x128xf32, #tpu.memory_space<vmem>> -> memref<1x16x128xf32, #tpu.memory_space<vmem>>
      %dma_wait3A_683 = tpu.memref_squeeze %dma_wait3A_682 : memref<1x16x128xf32, #tpu.memory_space<vmem>> -> memref<16x128xf32, #tpu.memory_space<vmem>>
      %dma_wait3A_684 = arith.constant 0 : i32
      %dma_wait3A_685 = tpu.memref_slice %arg4[%dma_wait3A_684, %multiple_of3A_193] : memref<16x1000000xf32, #tpu.memory_space<hbm>> -> memref<16x128xf32, #tpu.memory_space<hbm>>
      tpu.wait_dma2 semaphore(%arg12 : memref<!tpu.dma_semaphore, #tpu.memory_space<semaphore_mem>>) src(%dma_wait3A_685 : memref<16x128xf32, #tpu.memory_space<hbm>>) dst(%dma_wait3A_683 : memref<16x128xf32, #tpu.memory_space<vmem>>)
      %dma_wait3A_686 = arith.constant 5 : i32
      %dma_wait3A_687 = arith.constant 0 : i32
      %dma_wait3A_688 = arith.constant 0 : i32
      %dma_wait3A_689 = tpu.memref_slice %arg10[%dma_wait3A_686, %dma_wait3A_687, %dma_wait3A_688] : memref<16x16x128xf32, #tpu.memory_space<vmem>> -> memref<1x16x128xf32, #tpu.memory_space<vmem>>
      %dma_wait3A_690 = tpu.memref_squeeze %dma_wait3A_689 : memref<1x16x128xf32, #tpu.memory_space<vmem>> -> memref<16x128xf32, #tpu.memory_space<vmem>>
      %dma_wait3A_691 = arith.constant 0 : i32
      %dma_wait3A_692 = tpu.memref_slice %arg5[%dma_wait3A_691, %multiple_of3A_196] : memref<16x1000000xf32, #tpu.memory_space<hbm>> -> memref<16x128xf32, #tpu.memory_space<hbm>>
      %dma_wait3A_693 = arith.constant 0 : i32
      %dma_wait3A_694 = arith.constant 0 : i32
      %dma_wait3A_695 = tpu.memref_slice %arg10[%dma_wait3A_686, %dma_wait3A_693, %dma_wait3A_694] : memref<16x16x128xf32, #tpu.memory_space<vmem>> -> memref<1x16x128xf32, #tpu.memory_space<vmem>>
      %dma_wait3A_696 = tpu.memref_squeeze %dma_wait3A_695 : memref<1x16x128xf32, #tpu.memory_space<vmem>> -> memref<16x128xf32, #tpu.memory_space<vmem>>
      %dma_wait3A_697 = arith.constant 0 : i32
      %dma_wait3A_698 = tpu.memref_slice %arg5[%dma_wait3A_697, %multiple_of3A_196] : memref<16x1000000xf32, #tpu.memory_space<hbm>> -> memref<16x128xf32, #tpu.memory_space<hbm>>
      tpu.wait_dma2 semaphore(%arg12 : memref<!tpu.dma_semaphore, #tpu.memory_space<semaphore_mem>>) src(%dma_wait3A_698 : memref<16x128xf32, #tpu.memory_space<hbm>>) dst(%dma_wait3A_696 : memref<16x128xf32, #tpu.memory_space<vmem>>)
      %dma_wait3A_699 = arith.constant 6 : i32
      %dma_wait3A_700 = arith.constant 0 : i32
      %dma_wait3A_701 = arith.constant 0 : i32
      %dma_wait3A_702 = tpu.memref_slice %arg9[%dma_wait3A_699, %dma_wait3A_700, %dma_wait3A_701] : memref<16x16x128xf32, #tpu.memory_space<vmem>> -> memref<1x16x128xf32, #tpu.memory_space<vmem>>
      %dma_wait3A_703 = tpu.memref_squeeze %dma_wait3A_702 : memref<1x16x128xf32, #tpu.memory_space<vmem>> -> memref<16x128xf32, #tpu.memory_space<vmem>>
      %dma_wait3A_704 = arith.constant 0 : i32
      %dma_wait3A_705 = tpu.memref_slice %arg4[%dma_wait3A_704, %multiple_of3A_225] : memref<16x1000000xf32, #tpu.memory_space<hbm>> -> memref<16x128xf32, #tpu.memory_space<hbm>>
      %dma_wait3A_706 = arith.constant 0 : i32
      %dma_wait3A_707 = arith.constant 0 : i32
      %dma_wait3A_708 = tpu.memref_slice %arg9[%dma_wait3A_699, %dma_wait3A_706, %dma_wait3A_707] : memref<16x16x128xf32, #tpu.memory_space<vmem>> -> memref<1x16x128xf32, #tpu.memory_space<vmem>>
      %dma_wait3A_709 = tpu.memref_squeeze %dma_wait3A_708 : memref<1x16x128xf32, #tpu.memory_space<vmem>> -> memref<16x128xf32, #tpu.memory_space<vmem>>
      %dma_wait3A_710 = arith.constant 0 : i32
      %dma_wait3A_711 = tpu.memref_slice %arg4[%dma_wait3A_710, %multiple_of3A_225] : memref<16x1000000xf32, #tpu.memory_space<hbm>> -> memref<16x128xf32, #tpu.memory_space<hbm>>
      tpu.wait_dma2 semaphore(%arg12 : memref<!tpu.dma_semaphore, #tpu.memory_space<semaphore_mem>>) src(%dma_wait3A_711 : memref<16x128xf32, #tpu.memory_space<hbm>>) dst(%dma_wait3A_709 : memref<16x128xf32, #tpu.memory_space<vmem>>)
      %dma_wait3A_712 = arith.constant 6 : i32
      %dma_wait3A_713 = arith.constant 0 : i32
      %dma_wait3A_714 = arith.constant 0 : i32
      %dma_wait3A_715 = tpu.memref_slice %arg10[%dma_wait3A_712, %dma_wait3A_713, %dma_wait3A_714] : memref<16x16x128xf32, #tpu.memory_space<vmem>> -> memref<1x16x128xf32, #tpu.memory_space<vmem>>
      %dma_wait3A_716 = tpu.memref_squeeze %dma_wait3A_715 : memref<1x16x128xf32, #tpu.memory_space<vmem>> -> memref<16x128xf32, #tpu.memory_space<vmem>>
      %dma_wait3A_717 = arith.constant 0 : i32
      %dma_wait3A_718 = tpu.memref_slice %arg5[%dma_wait3A_717, %multiple_of3A_228] : memref<16x1000000xf32, #tpu.memory_space<hbm>> -> memref<16x128xf32, #tpu.memory_space<hbm>>
      %dma_wait3A_719 = arith.constant 0 : i32
      %dma_wait3A_720 = arith.constant 0 : i32
      %dma_wait3A_721 = tpu.memref_slice %arg10[%dma_wait3A_712, %dma_wait3A_719, %dma_wait3A_720] : memref<16x16x128xf32, #tpu.memory_space<vmem>> -> memref<1x16x128xf32, #tpu.memory_space<vmem>>
      %dma_wait3A_722 = tpu.memref_squeeze %dma_wait3A_721 : memref<1x16x128xf32, #tpu.memory_space<vmem>> -> memref<16x128xf32, #tpu.memory_space<vmem>>
      %dma_wait3A_723 = arith.constant 0 : i32
      %dma_wait3A_724 = tpu.memref_slice %arg5[%dma_wait3A_723, %multiple_of3A_228] : memref<16x1000000xf32, #tpu.memory_space<hbm>> -> memref<16x128xf32, #tpu.memory_space<hbm>>
      tpu.wait_dma2 semaphore(%arg12 : memref<!tpu.dma_semaphore, #tpu.memory_space<semaphore_mem>>) src(%dma_wait3A_724 : memref<16x128xf32, #tpu.memory_space<hbm>>) dst(%dma_wait3A_722 : memref<16x128xf32, #tpu.memory_space<vmem>>)
      %dma_wait3A_725 = arith.constant 7 : i32
      %dma_wait3A_726 = arith.constant 0 : i32
      %dma_wait3A_727 = arith.constant 0 : i32
      %dma_wait3A_728 = tpu.memref_slice %arg9[%dma_wait3A_725, %dma_wait3A_726, %dma_wait3A_727] : memref<16x16x128xf32, #tpu.memory_space<vmem>> -> memref<1x16x128xf32, #tpu.memory_space<vmem>>
      %dma_wait3A_729 = tpu.memref_squeeze %dma_wait3A_728 : memref<1x16x128xf32, #tpu.memory_space<vmem>> -> memref<16x128xf32, #tpu.memory_space<vmem>>
      %dma_wait3A_730 = arith.constant 0 : i32
      %dma_wait3A_731 = tpu.memref_slice %arg4[%dma_wait3A_730, %multiple_of3A_257] : memref<16x1000000xf32, #tpu.memory_space<hbm>> -> memref<16x128xf32, #tpu.memory_space<hbm>>
      %dma_wait3A_732 = arith.constant 0 : i32
      %dma_wait3A_733 = arith.constant 0 : i32
      %dma_wait3A_734 = tpu.memref_slice %arg9[%dma_wait3A_725, %dma_wait3A_732, %dma_wait3A_733] : memref<16x16x128xf32, #tpu.memory_space<vmem>> -> memref<1x16x128xf32, #tpu.memory_space<vmem>>
      %dma_wait3A_735 = tpu.memref_squeeze %dma_wait3A_734 : memref<1x16x128xf32, #tpu.memory_space<vmem>> -> memref<16x128xf32, #tpu.memory_space<vmem>>
      %dma_wait3A_736 = arith.constant 0 : i32
      %dma_wait3A_737 = tpu.memref_slice %arg4[%dma_wait3A_736, %multiple_of3A_257] : memref<16x1000000xf32, #tpu.memory_space<hbm>> -> memref<16x128xf32, #tpu.memory_space<hbm>>
      tpu.wait_dma2 semaphore(%arg12 : memref<!tpu.dma_semaphore, #tpu.memory_space<semaphore_mem>>) src(%dma_wait3A_737 : memref<16x128xf32, #tpu.memory_space<hbm>>) dst(%dma_wait3A_735 : memref<16x128xf32, #tpu.memory_space<vmem>>)
      %dma_wait3A_738 = arith.constant 7 : i32
      %dma_wait3A_739 = arith.constant 0 : i32
      %dma_wait3A_740 = arith.constant 0 : i32
      %dma_wait3A_741 = tpu.memref_slice %arg10[%dma_wait3A_738, %dma_wait3A_739, %dma_wait3A_740] : memref<16x16x128xf32, #tpu.memory_space<vmem>> -> memref<1x16x128xf32, #tpu.memory_space<vmem>>
      %dma_wait3A_742 = tpu.memref_squeeze %dma_wait3A_741 : memref<1x16x128xf32, #tpu.memory_space<vmem>> -> memref<16x128xf32, #tpu.memory_space<vmem>>
      %dma_wait3A_743 = arith.constant 0 : i32
      %dma_wait3A_744 = tpu.memref_slice %arg5[%dma_wait3A_743, %multiple_of3A_260] : memref<16x1000000xf32, #tpu.memory_space<hbm>> -> memref<16x128xf32, #tpu.memory_space<hbm>>
      %dma_wait3A_745 = arith.constant 0 : i32
      %dma_wait3A_746 = arith.constant 0 : i32
      %dma_wait3A_747 = tpu.memref_slice %arg10[%dma_wait3A_738, %dma_wait3A_745, %dma_wait3A_746] : memref<16x16x128xf32, #tpu.memory_space<vmem>> -> memref<1x16x128xf32, #tpu.memory_space<vmem>>
      %dma_wait3A_748 = tpu.memref_squeeze %dma_wait3A_747 : memref<1x16x128xf32, #tpu.memory_space<vmem>> -> memref<16x128xf32, #tpu.memory_space<vmem>>
      %dma_wait3A_749 = arith.constant 0 : i32
      %dma_wait3A_750 = tpu.memref_slice %arg5[%dma_wait3A_749, %multiple_of3A_260] : memref<16x1000000xf32, #tpu.memory_space<hbm>> -> memref<16x128xf32, #tpu.memory_space<hbm>>
      tpu.wait_dma2 semaphore(%arg12 : memref<!tpu.dma_semaphore, #tpu.memory_space<semaphore_mem>>) src(%dma_wait3A_750 : memref<16x128xf32, #tpu.memory_space<hbm>>) dst(%dma_wait3A_748 : memref<16x128xf32, #tpu.memory_space<vmem>>)
      %dma_wait3A_751 = arith.constant 8 : i32
      %dma_wait3A_752 = arith.constant 0 : i32
      %dma_wait3A_753 = arith.constant 0 : i32
      %dma_wait3A_754 = tpu.memref_slice %arg9[%dma_wait3A_751, %dma_wait3A_752, %dma_wait3A_753] : memref<16x16x128xf32, #tpu.memory_space<vmem>> -> memref<1x16x128xf32, #tpu.memory_space<vmem>>
      %dma_wait3A_755 = tpu.memref_squeeze %dma_wait3A_754 : memref<1x16x128xf32, #tpu.memory_space<vmem>> -> memref<16x128xf32, #tpu.memory_space<vmem>>
      %dma_wait3A_756 = arith.constant 0 : i32
      %dma_wait3A_757 = tpu.memref_slice %arg4[%dma_wait3A_756, %multiple_of3A_289] : memref<16x1000000xf32, #tpu.memory_space<hbm>> -> memref<16x128xf32, #tpu.memory_space<hbm>>
      %dma_wait3A_758 = arith.constant 0 : i32
      %dma_wait3A_759 = arith.constant 0 : i32
      %dma_wait3A_760 = tpu.memref_slice %arg9[%dma_wait3A_751, %dma_wait3A_758, %dma_wait3A_759] : memref<16x16x128xf32, #tpu.memory_space<vmem>> -> memref<1x16x128xf32, #tpu.memory_space<vmem>>
      %dma_wait3A_761 = tpu.memref_squeeze %dma_wait3A_760 : memref<1x16x128xf32, #tpu.memory_space<vmem>> -> memref<16x128xf32, #tpu.memory_space<vmem>>
      %dma_wait3A_762 = arith.constant 0 : i32
      %dma_wait3A_763 = tpu.memref_slice %arg4[%dma_wait3A_762, %multiple_of3A_289] : memref<16x1000000xf32, #tpu.memory_space<hbm>> -> memref<16x128xf32, #tpu.memory_space<hbm>>
      tpu.wait_dma2 semaphore(%arg12 : memref<!tpu.dma_semaphore, #tpu.memory_space<semaphore_mem>>) src(%dma_wait3A_763 : memref<16x128xf32, #tpu.memory_space<hbm>>) dst(%dma_wait3A_761 : memref<16x128xf32, #tpu.memory_space<vmem>>)
      %dma_wait3A_764 = arith.constant 8 : i32
      %dma_wait3A_765 = arith.constant 0 : i32
      %dma_wait3A_766 = arith.constant 0 : i32
      %dma_wait3A_767 = tpu.memref_slice %arg10[%dma_wait3A_764, %dma_wait3A_765, %dma_wait3A_766] : memref<16x16x128xf32, #tpu.memory_space<vmem>> -> memref<1x16x128xf32, #tpu.memory_space<vmem>>
      %dma_wait3A_768 = tpu.memref_squeeze %dma_wait3A_767 : memref<1x16x128xf32, #tpu.memory_space<vmem>> -> memref<16x128xf32, #tpu.memory_space<vmem>>
      %dma_wait3A_769 = arith.constant 0 : i32
      %dma_wait3A_770 = tpu.memref_slice %arg5[%dma_wait3A_769, %multiple_of3A_292] : memref<16x1000000xf32, #tpu.memory_space<hbm>> -> memref<16x128xf32, #tpu.memory_space<hbm>>
      %dma_wait3A_771 = arith.constant 0 : i32
      %dma_wait3A_772 = arith.constant 0 : i32
      %dma_wait3A_773 = tpu.memref_slice %arg10[%dma_wait3A_764, %dma_wait3A_771, %dma_wait3A_772] : memref<16x16x128xf32, #tpu.memory_space<vmem>> -> memref<1x16x128xf32, #tpu.memory_space<vmem>>
      %dma_wait3A_774 = tpu.memref_squeeze %dma_wait3A_773 : memref<1x16x128xf32, #tpu.memory_space<vmem>> -> memref<16x128xf32, #tpu.memory_space<vmem>>
      %dma_wait3A_775 = arith.constant 0 : i32
      %dma_wait3A_776 = tpu.memref_slice %arg5[%dma_wait3A_775, %multiple_of3A_292] : memref<16x1000000xf32, #tpu.memory_space<hbm>> -> memref<16x128xf32, #tpu.memory_space<hbm>>
      tpu.wait_dma2 semaphore(%arg12 : memref<!tpu.dma_semaphore, #tpu.memory_space<semaphore_mem>>) src(%dma_wait3A_776 : memref<16x128xf32, #tpu.memory_space<hbm>>) dst(%dma_wait3A_774 : memref<16x128xf32, #tpu.memory_space<vmem>>)
      %dma_wait3A_777 = arith.constant 9 : i32
      %dma_wait3A_778 = arith.constant 0 : i32
      %dma_wait3A_779 = arith.constant 0 : i32
      %dma_wait3A_780 = tpu.memref_slice %arg9[%dma_wait3A_777, %dma_wait3A_778, %dma_wait3A_779] : memref<16x16x128xf32, #tpu.memory_space<vmem>> -> memref<1x16x128xf32, #tpu.memory_space<vmem>>
      %dma_wait3A_781 = tpu.memref_squeeze %dma_wait3A_780 : memref<1x16x128xf32, #tpu.memory_space<vmem>> -> memref<16x128xf32, #tpu.memory_space<vmem>>
      %dma_wait3A_782 = arith.constant 0 : i32
      %dma_wait3A_783 = tpu.memref_slice %arg4[%dma_wait3A_782, %multiple_of3A_321] : memref<16x1000000xf32, #tpu.memory_space<hbm>> -> memref<16x128xf32, #tpu.memory_space<hbm>>
      %dma_wait3A_784 = arith.constant 0 : i32
      %dma_wait3A_785 = arith.constant 0 : i32
      %dma_wait3A_786 = tpu.memref_slice %arg9[%dma_wait3A_777, %dma_wait3A_784, %dma_wait3A_785] : memref<16x16x128xf32, #tpu.memory_space<vmem>> -> memref<1x16x128xf32, #tpu.memory_space<vmem>>
      %dma_wait3A_787 = tpu.memref_squeeze %dma_wait3A_786 : memref<1x16x128xf32, #tpu.memory_space<vmem>> -> memref<16x128xf32, #tpu.memory_space<vmem>>
      %dma_wait3A_788 = arith.constant 0 : i32
      %dma_wait3A_789 = tpu.memref_slice %arg4[%dma_wait3A_788, %multiple_of3A_321] : memref<16x1000000xf32, #tpu.memory_space<hbm>> -> memref<16x128xf32, #tpu.memory_space<hbm>>
      tpu.wait_dma2 semaphore(%arg12 : memref<!tpu.dma_semaphore, #tpu.memory_space<semaphore_mem>>) src(%dma_wait3A_789 : memref<16x128xf32, #tpu.memory_space<hbm>>) dst(%dma_wait3A_787 : memref<16x128xf32, #tpu.memory_space<vmem>>)
      %dma_wait3A_790 = arith.constant 9 : i32
      %dma_wait3A_791 = arith.constant 0 : i32
      %dma_wait3A_792 = arith.constant 0 : i32
      %dma_wait3A_793 = tpu.memref_slice %arg10[%dma_wait3A_790, %dma_wait3A_791, %dma_wait3A_792] : memref<16x16x128xf32, #tpu.memory_space<vmem>> -> memref<1x16x128xf32, #tpu.memory_space<vmem>>
      %dma_wait3A_794 = tpu.memref_squeeze %dma_wait3A_793 : memref<1x16x128xf32, #tpu.memory_space<vmem>> -> memref<16x128xf32, #tpu.memory_space<vmem>>
      %dma_wait3A_795 = arith.constant 0 : i32
      %dma_wait3A_796 = tpu.memref_slice %arg5[%dma_wait3A_795, %multiple_of3A_324] : memref<16x1000000xf32, #tpu.memory_space<hbm>> -> memref<16x128xf32, #tpu.memory_space<hbm>>
      %dma_wait3A_797 = arith.constant 0 : i32
      %dma_wait3A_798 = arith.constant 0 : i32
      %dma_wait3A_799 = tpu.memref_slice %arg10[%dma_wait3A_790, %dma_wait3A_797, %dma_wait3A_798] : memref<16x16x128xf32, #tpu.memory_space<vmem>> -> memref<1x16x128xf32, #tpu.memory_space<vmem>>
      %dma_wait3A_800 = tpu.memref_squeeze %dma_wait3A_799 : memref<1x16x128xf32, #tpu.memory_space<vmem>> -> memref<16x128xf32, #tpu.memory_space<vmem>>
      %dma_wait3A_801 = arith.constant 0 : i32
      %dma_wait3A_802 = tpu.memref_slice %arg5[%dma_wait3A_801, %multiple_of3A_324] : memref<16x1000000xf32, #tpu.memory_space<hbm>> -> memref<16x128xf32, #tpu.memory_space<hbm>>
      tpu.wait_dma2 semaphore(%arg12 : memref<!tpu.dma_semaphore, #tpu.memory_space<semaphore_mem>>) src(%dma_wait3A_802 : memref<16x128xf32, #tpu.memory_space<hbm>>) dst(%dma_wait3A_800 : memref<16x128xf32, #tpu.memory_space<vmem>>)
      %dma_wait3A_803 = arith.constant 10 : i32
      %dma_wait3A_804 = arith.constant 0 : i32
      %dma_wait3A_805 = arith.constant 0 : i32
      %dma_wait3A_806 = tpu.memref_slice %arg9[%dma_wait3A_803, %dma_wait3A_804, %dma_wait3A_805] : memref<16x16x128xf32, #tpu.memory_space<vmem>> -> memref<1x16x128xf32, #tpu.memory_space<vmem>>
      %dma_wait3A_807 = tpu.memref_squeeze %dma_wait3A_806 : memref<1x16x128xf32, #tpu.memory_space<vmem>> -> memref<16x128xf32, #tpu.memory_space<vmem>>
      %dma_wait3A_808 = arith.constant 0 : i32
      %dma_wait3A_809 = tpu.memref_slice %arg4[%dma_wait3A_808, %multiple_of3A_353] : memref<16x1000000xf32, #tpu.memory_space<hbm>> -> memref<16x128xf32, #tpu.memory_space<hbm>>
      %dma_wait3A_810 = arith.constant 0 : i32
      %dma_wait3A_811 = arith.constant 0 : i32
      %dma_wait3A_812 = tpu.memref_slice %arg9[%dma_wait3A_803, %dma_wait3A_810, %dma_wait3A_811] : memref<16x16x128xf32, #tpu.memory_space<vmem>> -> memref<1x16x128xf32, #tpu.memory_space<vmem>>
      %dma_wait3A_813 = tpu.memref_squeeze %dma_wait3A_812 : memref<1x16x128xf32, #tpu.memory_space<vmem>> -> memref<16x128xf32, #tpu.memory_space<vmem>>
      %dma_wait3A_814 = arith.constant 0 : i32
      %dma_wait3A_815 = tpu.memref_slice %arg4[%dma_wait3A_814, %multiple_of3A_353] : memref<16x1000000xf32, #tpu.memory_space<hbm>> -> memref<16x128xf32, #tpu.memory_space<hbm>>
      tpu.wait_dma2 semaphore(%arg12 : memref<!tpu.dma_semaphore, #tpu.memory_space<semaphore_mem>>) src(%dma_wait3A_815 : memref<16x128xf32, #tpu.memory_space<hbm>>) dst(%dma_wait3A_813 : memref<16x128xf32, #tpu.memory_space<vmem>>)
      %dma_wait3A_816 = arith.constant 10 : i32
      %dma_wait3A_817 = arith.constant 0 : i32
      %dma_wait3A_818 = arith.constant 0 : i32
      %dma_wait3A_819 = tpu.memref_slice %arg10[%dma_wait3A_816, %dma_wait3A_817, %dma_wait3A_818] : memref<16x16x128xf32, #tpu.memory_space<vmem>> -> memref<1x16x128xf32, #tpu.memory_space<vmem>>
      %dma_wait3A_820 = tpu.memref_squeeze %dma_wait3A_819 : memref<1x16x128xf32, #tpu.memory_space<vmem>> -> memref<16x128xf32, #tpu.memory_space<vmem>>
      %dma_wait3A_821 = arith.constant 0 : i32
      %dma_wait3A_822 = tpu.memref_slice %arg5[%dma_wait3A_821, %multiple_of3A_356] : memref<16x1000000xf32, #tpu.memory_space<hbm>> -> memref<16x128xf32, #tpu.memory_space<hbm>>
      %dma_wait3A_823 = arith.constant 0 : i32
      %dma_wait3A_824 = arith.constant 0 : i32
      %dma_wait3A_825 = tpu.memref_slice %arg10[%dma_wait3A_816, %dma_wait3A_823, %dma_wait3A_824] : memref<16x16x128xf32, #tpu.memory_space<vmem>> -> memref<1x16x128xf32, #tpu.memory_space<vmem>>
      %dma_wait3A_826 = tpu.memref_squeeze %dma_wait3A_825 : memref<1x16x128xf32, #tpu.memory_space<vmem>> -> memref<16x128xf32, #tpu.memory_space<vmem>>
      %dma_wait3A_827 = arith.constant 0 : i32
      %dma_wait3A_828 = tpu.memref_slice %arg5[%dma_wait3A_827, %multiple_of3A_356] : memref<16x1000000xf32, #tpu.memory_space<hbm>> -> memref<16x128xf32, #tpu.memory_space<hbm>>
      tpu.wait_dma2 semaphore(%arg12 : memref<!tpu.dma_semaphore, #tpu.memory_space<semaphore_mem>>) src(%dma_wait3A_828 : memref<16x128xf32, #tpu.memory_space<hbm>>) dst(%dma_wait3A_826 : memref<16x128xf32, #tpu.memory_space<vmem>>)
      %dma_wait3A_829 = arith.constant 11 : i32
      %dma_wait3A_830 = arith.constant 0 : i32
      %dma_wait3A_831 = arith.constant 0 : i32
      %dma_wait3A_832 = tpu.memref_slice %arg9[%dma_wait3A_829, %dma_wait3A_830, %dma_wait3A_831] : memref<16x16x128xf32, #tpu.memory_space<vmem>> -> memref<1x16x128xf32, #tpu.memory_space<vmem>>
      %dma_wait3A_833 = tpu.memref_squeeze %dma_wait3A_832 : memref<1x16x128xf32, #tpu.memory_space<vmem>> -> memref<16x128xf32, #tpu.memory_space<vmem>>
      %dma_wait3A_834 = arith.constant 0 : i32
      %dma_wait3A_835 = tpu.memref_slice %arg4[%dma_wait3A_834, %multiple_of3A_385] : memref<16x1000000xf32, #tpu.memory_space<hbm>> -> memref<16x128xf32, #tpu.memory_space<hbm>>
      %dma_wait3A_836 = arith.constant 0 : i32
      %dma_wait3A_837 = arith.constant 0 : i32
      %dma_wait3A_838 = tpu.memref_slice %arg9[%dma_wait3A_829, %dma_wait3A_836, %dma_wait3A_837] : memref<16x16x128xf32, #tpu.memory_space<vmem>> -> memref<1x16x128xf32, #tpu.memory_space<vmem>>
      %dma_wait3A_839 = tpu.memref_squeeze %dma_wait3A_838 : memref<1x16x128xf32, #tpu.memory_space<vmem>> -> memref<16x128xf32, #tpu.memory_space<vmem>>
      %dma_wait3A_840 = arith.constant 0 : i32
      %dma_wait3A_841 = tpu.memref_slice %arg4[%dma_wait3A_840, %multiple_of3A_385] : memref<16x1000000xf32, #tpu.memory_space<hbm>> -> memref<16x128xf32, #tpu.memory_space<hbm>>
      tpu.wait_dma2 semaphore(%arg12 : memref<!tpu.dma_semaphore, #tpu.memory_space<semaphore_mem>>) src(%dma_wait3A_841 : memref<16x128xf32, #tpu.memory_space<hbm>>) dst(%dma_wait3A_839 : memref<16x128xf32, #tpu.memory_space<vmem>>)
      %dma_wait3A_842 = arith.constant 11 : i32
      %dma_wait3A_843 = arith.constant 0 : i32
      %dma_wait3A_844 = arith.constant 0 : i32
      %dma_wait3A_845 = tpu.memref_slice %arg10[%dma_wait3A_842, %dma_wait3A_843, %dma_wait3A_844] : memref<16x16x128xf32, #tpu.memory_space<vmem>> -> memref<1x16x128xf32, #tpu.memory_space<vmem>>
      %dma_wait3A_846 = tpu.memref_squeeze %dma_wait3A_845 : memref<1x16x128xf32, #tpu.memory_space<vmem>> -> memref<16x128xf32, #tpu.memory_space<vmem>>
      %dma_wait3A_847 = arith.constant 0 : i32
      %dma_wait3A_848 = tpu.memref_slice %arg5[%dma_wait3A_847, %multiple_of3A_388] : memref<16x1000000xf32, #tpu.memory_space<hbm>> -> memref<16x128xf32, #tpu.memory_space<hbm>>
      %dma_wait3A_849 = arith.constant 0 : i32
      %dma_wait3A_850 = arith.constant 0 : i32
      %dma_wait3A_851 = tpu.memref_slice %arg10[%dma_wait3A_842, %dma_wait3A_849, %dma_wait3A_850] : memref<16x16x128xf32, #tpu.memory_space<vmem>> -> memref<1x16x128xf32, #tpu.memory_space<vmem>>
      %dma_wait3A_852 = tpu.memref_squeeze %dma_wait3A_851 : memref<1x16x128xf32, #tpu.memory_space<vmem>> -> memref<16x128xf32, #tpu.memory_space<vmem>>
      %dma_wait3A_853 = arith.constant 0 : i32
      %dma_wait3A_854 = tpu.memref_slice %arg5[%dma_wait3A_853, %multiple_of3A_388] : memref<16x1000000xf32, #tpu.memory_space<hbm>> -> memref<16x128xf32, #tpu.memory_space<hbm>>
      tpu.wait_dma2 semaphore(%arg12 : memref<!tpu.dma_semaphore, #tpu.memory_space<semaphore_mem>>) src(%dma_wait3A_854 : memref<16x128xf32, #tpu.memory_space<hbm>>) dst(%dma_wait3A_852 : memref<16x128xf32, #tpu.memory_space<vmem>>)
      %dma_wait3A_855 = arith.constant 12 : i32
      %dma_wait3A_856 = arith.constant 0 : i32
      %dma_wait3A_857 = arith.constant 0 : i32
      %dma_wait3A_858 = tpu.memref_slice %arg9[%dma_wait3A_855, %dma_wait3A_856, %dma_wait3A_857] : memref<16x16x128xf32, #tpu.memory_space<vmem>> -> memref<1x16x128xf32, #tpu.memory_space<vmem>>
      %dma_wait3A_859 = tpu.memref_squeeze %dma_wait3A_858 : memref<1x16x128xf32, #tpu.memory_space<vmem>> -> memref<16x128xf32, #tpu.memory_space<vmem>>
      %dma_wait3A_860 = arith.constant 0 : i32
      %dma_wait3A_861 = tpu.memref_slice %arg4[%dma_wait3A_860, %multiple_of3A_417] : memref<16x1000000xf32, #tpu.memory_space<hbm>> -> memref<16x128xf32, #tpu.memory_space<hbm>>
      %dma_wait3A_862 = arith.constant 0 : i32
      %dma_wait3A_863 = arith.constant 0 : i32
      %dma_wait3A_864 = tpu.memref_slice %arg9[%dma_wait3A_855, %dma_wait3A_862, %dma_wait3A_863] : memref<16x16x128xf32, #tpu.memory_space<vmem>> -> memref<1x16x128xf32, #tpu.memory_space<vmem>>
      %dma_wait3A_865 = tpu.memref_squeeze %dma_wait3A_864 : memref<1x16x128xf32, #tpu.memory_space<vmem>> -> memref<16x128xf32, #tpu.memory_space<vmem>>
      %dma_wait3A_866 = arith.constant 0 : i32
      %dma_wait3A_867 = tpu.memref_slice %arg4[%dma_wait3A_866, %multiple_of3A_417] : memref<16x1000000xf32, #tpu.memory_space<hbm>> -> memref<16x128xf32, #tpu.memory_space<hbm>>
      tpu.wait_dma2 semaphore(%arg12 : memref<!tpu.dma_semaphore, #tpu.memory_space<semaphore_mem>>) src(%dma_wait3A_867 : memref<16x128xf32, #tpu.memory_space<hbm>>) dst(%dma_wait3A_865 : memref<16x128xf32, #tpu.memory_space<vmem>>)
      %dma_wait3A_868 = arith.constant 12 : i32
      %dma_wait3A_869 = arith.constant 0 : i32
      %dma_wait3A_870 = arith.constant 0 : i32
      %dma_wait3A_871 = tpu.memref_slice %arg10[%dma_wait3A_868, %dma_wait3A_869, %dma_wait3A_870] : memref<16x16x128xf32, #tpu.memory_space<vmem>> -> memref<1x16x128xf32, #tpu.memory_space<vmem>>
      %dma_wait3A_872 = tpu.memref_squeeze %dma_wait3A_871 : memref<1x16x128xf32, #tpu.memory_space<vmem>> -> memref<16x128xf32, #tpu.memory_space<vmem>>
      %dma_wait3A_873 = arith.constant 0 : i32
      %dma_wait3A_874 = tpu.memref_slice %arg5[%dma_wait3A_873, %multiple_of3A_420] : memref<16x1000000xf32, #tpu.memory_space<hbm>> -> memref<16x128xf32, #tpu.memory_space<hbm>>
      %dma_wait3A_875 = arith.constant 0 : i32
      %dma_wait3A_876 = arith.constant 0 : i32
      %dma_wait3A_877 = tpu.memref_slice %arg10[%dma_wait3A_868, %dma_wait3A_875, %dma_wait3A_876] : memref<16x16x128xf32, #tpu.memory_space<vmem>> -> memref<1x16x128xf32, #tpu.memory_space<vmem>>
      %dma_wait3A_878 = tpu.memref_squeeze %dma_wait3A_877 : memref<1x16x128xf32, #tpu.memory_space<vmem>> -> memref<16x128xf32, #tpu.memory_space<vmem>>
      %dma_wait3A_879 = arith.constant 0 : i32
      %dma_wait3A_880 = tpu.memref_slice %arg5[%dma_wait3A_879, %multiple_of3A_420] : memref<16x1000000xf32, #tpu.memory_space<hbm>> -> memref<16x128xf32, #tpu.memory_space<hbm>>
      tpu.wait_dma2 semaphore(%arg12 : memref<!tpu.dma_semaphore, #tpu.memory_space<semaphore_mem>>) src(%dma_wait3A_880 : memref<16x128xf32, #tpu.memory_space<hbm>>) dst(%dma_wait3A_878 : memref<16x128xf32, #tpu.memory_space<vmem>>)
      %dma_wait3A_881 = arith.constant 13 : i32
      %dma_wait3A_882 = arith.constant 0 : i32
      %dma_wait3A_883 = arith.constant 0 : i32
      %dma_wait3A_884 = tpu.memref_slice %arg9[%dma_wait3A_881, %dma_wait3A_882, %dma_wait3A_883] : memref<16x16x128xf32, #tpu.memory_space<vmem>> -> memref<1x16x128xf32, #tpu.memory_space<vmem>>
      %dma_wait3A_885 = tpu.memref_squeeze %dma_wait3A_884 : memref<1x16x128xf32, #tpu.memory_space<vmem>> -> memref<16x128xf32, #tpu.memory_space<vmem>>
      %dma_wait3A_886 = arith.constant 0 : i32
      %dma_wait3A_887 = tpu.memref_slice %arg4[%dma_wait3A_886, %multiple_of3A_449] : memref<16x1000000xf32, #tpu.memory_space<hbm>> -> memref<16x128xf32, #tpu.memory_space<hbm>>
      %dma_wait3A_888 = arith.constant 0 : i32
      %dma_wait3A_889 = arith.constant 0 : i32
      %dma_wait3A_890 = tpu.memref_slice %arg9[%dma_wait3A_881, %dma_wait3A_888, %dma_wait3A_889] : memref<16x16x128xf32, #tpu.memory_space<vmem>> -> memref<1x16x128xf32, #tpu.memory_space<vmem>>
      %dma_wait3A_891 = tpu.memref_squeeze %dma_wait3A_890 : memref<1x16x128xf32, #tpu.memory_space<vmem>> -> memref<16x128xf32, #tpu.memory_space<vmem>>
      %dma_wait3A_892 = arith.constant 0 : i32
      %dma_wait3A_893 = tpu.memref_slice %arg4[%dma_wait3A_892, %multiple_of3A_449] : memref<16x1000000xf32, #tpu.memory_space<hbm>> -> memref<16x128xf32, #tpu.memory_space<hbm>>
      tpu.wait_dma2 semaphore(%arg12 : memref<!tpu.dma_semaphore, #tpu.memory_space<semaphore_mem>>) src(%dma_wait3A_893 : memref<16x128xf32, #tpu.memory_space<hbm>>) dst(%dma_wait3A_891 : memref<16x128xf32, #tpu.memory_space<vmem>>)
      %dma_wait3A_894 = arith.constant 13 : i32
      %dma_wait3A_895 = arith.constant 0 : i32
      %dma_wait3A_896 = arith.constant 0 : i32
      %dma_wait3A_897 = tpu.memref_slice %arg10[%dma_wait3A_894, %dma_wait3A_895, %dma_wait3A_896] : memref<16x16x128xf32, #tpu.memory_space<vmem>> -> memref<1x16x128xf32, #tpu.memory_space<vmem>>
      %dma_wait3A_898 = tpu.memref_squeeze %dma_wait3A_897 : memref<1x16x128xf32, #tpu.memory_space<vmem>> -> memref<16x128xf32, #tpu.memory_space<vmem>>
      %dma_wait3A_899 = arith.constant 0 : i32
      %dma_wait3A_900 = tpu.memref_slice %arg5[%dma_wait3A_899, %multiple_of3A_452] : memref<16x1000000xf32, #tpu.memory_space<hbm>> -> memref<16x128xf32, #tpu.memory_space<hbm>>
      %dma_wait3A_901 = arith.constant 0 : i32
      %dma_wait3A_902 = arith.constant 0 : i32
      %dma_wait3A_903 = tpu.memref_slice %arg10[%dma_wait3A_894, %dma_wait3A_901, %dma_wait3A_902] : memref<16x16x128xf32, #tpu.memory_space<vmem>> -> memref<1x16x128xf32, #tpu.memory_space<vmem>>
      %dma_wait3A_904 = tpu.memref_squeeze %dma_wait3A_903 : memref<1x16x128xf32, #tpu.memory_space<vmem>> -> memref<16x128xf32, #tpu.memory_space<vmem>>
      %dma_wait3A_905 = arith.constant 0 : i32
      %dma_wait3A_906 = tpu.memref_slice %arg5[%dma_wait3A_905, %multiple_of3A_452] : memref<16x1000000xf32, #tpu.memory_space<hbm>> -> memref<16x128xf32, #tpu.memory_space<hbm>>
      tpu.wait_dma2 semaphore(%arg12 : memref<!tpu.dma_semaphore, #tpu.memory_space<semaphore_mem>>) src(%dma_wait3A_906 : memref<16x128xf32, #tpu.memory_space<hbm>>) dst(%dma_wait3A_904 : memref<16x128xf32, #tpu.memory_space<vmem>>)
      %dma_wait3A_907 = arith.constant 14 : i32
      %dma_wait3A_908 = arith.constant 0 : i32
      %dma_wait3A_909 = arith.constant 0 : i32
      %dma_wait3A_910 = tpu.memref_slice %arg9[%dma_wait3A_907, %dma_wait3A_908, %dma_wait3A_909] : memref<16x16x128xf32, #tpu.memory_space<vmem>> -> memref<1x16x128xf32, #tpu.memory_space<vmem>>
      %dma_wait3A_911 = tpu.memref_squeeze %dma_wait3A_910 : memref<1x16x128xf32, #tpu.memory_space<vmem>> -> memref<16x128xf32, #tpu.memory_space<vmem>>
      %dma_wait3A_912 = arith.constant 0 : i32
      %dma_wait3A_913 = tpu.memref_slice %arg4[%dma_wait3A_912, %multiple_of3A_481] : memref<16x1000000xf32, #tpu.memory_space<hbm>> -> memref<16x128xf32, #tpu.memory_space<hbm>>
      %dma_wait3A_914 = arith.constant 0 : i32
      %dma_wait3A_915 = arith.constant 0 : i32
      %dma_wait3A_916 = tpu.memref_slice %arg9[%dma_wait3A_907, %dma_wait3A_914, %dma_wait3A_915] : memref<16x16x128xf32, #tpu.memory_space<vmem>> -> memref<1x16x128xf32, #tpu.memory_space<vmem>>
      %dma_wait3A_917 = tpu.memref_squeeze %dma_wait3A_916 : memref<1x16x128xf32, #tpu.memory_space<vmem>> -> memref<16x128xf32, #tpu.memory_space<vmem>>
      %dma_wait3A_918 = arith.constant 0 : i32
      %dma_wait3A_919 = tpu.memref_slice %arg4[%dma_wait3A_918, %multiple_of3A_481] : memref<16x1000000xf32, #tpu.memory_space<hbm>> -> memref<16x128xf32, #tpu.memory_space<hbm>>
      tpu.wait_dma2 semaphore(%arg12 : memref<!tpu.dma_semaphore, #tpu.memory_space<semaphore_mem>>) src(%dma_wait3A_919 : memref<16x128xf32, #tpu.memory_space<hbm>>) dst(%dma_wait3A_917 : memref<16x128xf32, #tpu.memory_space<vmem>>)
      %dma_wait3A_920 = arith.constant 14 : i32
      %dma_wait3A_921 = arith.constant 0 : i32
      %dma_wait3A_922 = arith.constant 0 : i32
      %dma_wait3A_923 = tpu.memref_slice %arg10[%dma_wait3A_920, %dma_wait3A_921, %dma_wait3A_922] : memref<16x16x128xf32, #tpu.memory_space<vmem>> -> memref<1x16x128xf32, #tpu.memory_space<vmem>>
      %dma_wait3A_924 = tpu.memref_squeeze %dma_wait3A_923 : memref<1x16x128xf32, #tpu.memory_space<vmem>> -> memref<16x128xf32, #tpu.memory_space<vmem>>
      %dma_wait3A_925 = arith.constant 0 : i32
      %dma_wait3A_926 = tpu.memref_slice %arg5[%dma_wait3A_925, %multiple_of3A_484] : memref<16x1000000xf32, #tpu.memory_space<hbm>> -> memref<16x128xf32, #tpu.memory_space<hbm>>
      %dma_wait3A_927 = arith.constant 0 : i32
      %dma_wait3A_928 = arith.constant 0 : i32
      %dma_wait3A_929 = tpu.memref_slice %arg10[%dma_wait3A_920, %dma_wait3A_927, %dma_wait3A_928] : memref<16x16x128xf32, #tpu.memory_space<vmem>> -> memref<1x16x128xf32, #tpu.memory_space<vmem>>
      %dma_wait3A_930 = tpu.memref_squeeze %dma_wait3A_929 : memref<1x16x128xf32, #tpu.memory_space<vmem>> -> memref<16x128xf32, #tpu.memory_space<vmem>>
      %dma_wait3A_931 = arith.constant 0 : i32
      %dma_wait3A_932 = tpu.memref_slice %arg5[%dma_wait3A_931, %multiple_of3A_484] : memref<16x1000000xf32, #tpu.memory_space<hbm>> -> memref<16x128xf32, #tpu.memory_space<hbm>>
      tpu.wait_dma2 semaphore(%arg12 : memref<!tpu.dma_semaphore, #tpu.memory_space<semaphore_mem>>) src(%dma_wait3A_932 : memref<16x128xf32, #tpu.memory_space<hbm>>) dst(%dma_wait3A_930 : memref<16x128xf32, #tpu.memory_space<vmem>>)
      %dma_wait3A_933 = arith.constant 15 : i32
      %dma_wait3A_934 = arith.constant 0 : i32
      %dma_wait3A_935 = arith.constant 0 : i32
      %dma_wait3A_936 = tpu.memref_slice %arg9[%dma_wait3A_933, %dma_wait3A_934, %dma_wait3A_935] : memref<16x16x128xf32, #tpu.memory_space<vmem>> -> memref<1x16x128xf32, #tpu.memory_space<vmem>>
      %dma_wait3A_937 = tpu.memref_squeeze %dma_wait3A_936 : memref<1x16x128xf32, #tpu.memory_space<vmem>> -> memref<16x128xf32, #tpu.memory_space<vmem>>
      %dma_wait3A_938 = arith.constant 0 : i32
      %dma_wait3A_939 = tpu.memref_slice %arg4[%dma_wait3A_938, %multiple_of3A_513] : memref<16x1000000xf32, #tpu.memory_space<hbm>> -> memref<16x128xf32, #tpu.memory_space<hbm>>
      %dma_wait3A_940 = arith.constant 0 : i32
      %dma_wait3A_941 = arith.constant 0 : i32
      %dma_wait3A_942 = tpu.memref_slice %arg9[%dma_wait3A_933, %dma_wait3A_940, %dma_wait3A_941] : memref<16x16x128xf32, #tpu.memory_space<vmem>> -> memref<1x16x128xf32, #tpu.memory_space<vmem>>
      %dma_wait3A_943 = tpu.memref_squeeze %dma_wait3A_942 : memref<1x16x128xf32, #tpu.memory_space<vmem>> -> memref<16x128xf32, #tpu.memory_space<vmem>>
      %dma_wait3A_944 = arith.constant 0 : i32
      %dma_wait3A_945 = tpu.memref_slice %arg4[%dma_wait3A_944, %multiple_of3A_513] : memref<16x1000000xf32, #tpu.memory_space<hbm>> -> memref<16x128xf32, #tpu.memory_space<hbm>>
      tpu.wait_dma2 semaphore(%arg12 : memref<!tpu.dma_semaphore, #tpu.memory_space<semaphore_mem>>) src(%dma_wait3A_945 : memref<16x128xf32, #tpu.memory_space<hbm>>) dst(%dma_wait3A_943 : memref<16x128xf32, #tpu.memory_space<vmem>>)
      %dma_wait3A_946 = arith.constant 15 : i32
      %dma_wait3A_947 = arith.constant 0 : i32
      %dma_wait3A_948 = arith.constant 0 : i32
      %dma_wait3A_949 = tpu.memref_slice %arg10[%dma_wait3A_946, %dma_wait3A_947, %dma_wait3A_948] : memref<16x16x128xf32, #tpu.memory_space<vmem>> -> memref<1x16x128xf32, #tpu.memory_space<vmem>>
      %dma_wait3A_950 = tpu.memref_squeeze %dma_wait3A_949 : memref<1x16x128xf32, #tpu.memory_space<vmem>> -> memref<16x128xf32, #tpu.memory_space<vmem>>
      %dma_wait3A_951 = arith.constant 0 : i32
      %dma_wait3A_952 = tpu.memref_slice %arg5[%dma_wait3A_951, %multiple_of3A_516] : memref<16x1000000xf32, #tpu.memory_space<hbm>> -> memref<16x128xf32, #tpu.memory_space<hbm>>
      %dma_wait3A_953 = arith.constant 0 : i32
      %dma_wait3A_954 = arith.constant 0 : i32
      %dma_wait3A_955 = tpu.memref_slice %arg10[%dma_wait3A_946, %dma_wait3A_953, %dma_wait3A_954] : memref<16x16x128xf32, #tpu.memory_space<vmem>> -> memref<1x16x128xf32, #tpu.memory_space<vmem>>
      %dma_wait3A_956 = tpu.memref_squeeze %dma_wait3A_955 : memref<1x16x128xf32, #tpu.memory_space<vmem>> -> memref<16x128xf32, #tpu.memory_space<vmem>>
      %dma_wait3A_957 = arith.constant 0 : i32
      %dma_wait3A_958 = tpu.memref_slice %arg5[%dma_wait3A_957, %multiple_of3A_516] : memref<16x1000000xf32, #tpu.memory_space<hbm>> -> memref<16x128xf32, #tpu.memory_space<hbm>>
      tpu.wait_dma2 semaphore(%arg12 : memref<!tpu.dma_semaphore, #tpu.memory_space<semaphore_mem>>) src(%dma_wait3A_958 : memref<16x128xf32, #tpu.memory_space<hbm>>) dst(%dma_wait3A_956 : memref<16x128xf32, #tpu.memory_space<vmem>>)
      %convert_element_type3A = arith.sitofp %mul3A_27 : vector<16xi32> to vector<16xf32>
      %swap3A = arith.index_cast %mul3A_19 : i32 to index
      %swap3A_959 = tpu.vector_load %arg11[%swap3A] {strides = array<i32>} : memref<512xf32, #tpu.memory_space<vmem>>, vector<16xf32>,
      tpu.vector_store %arg11[%swap3A], %convert_element_type3A {strides = array<i32>} : memref<512xf32, #tpu.memory_space<vmem>>, vector<16xf32>,
    }
    %scan3A_12 = arith.constant 32 : i32
    "tpu.region"() ({
      %run_scoped3A = tpu.sem_alloc : memref<!tpu.dma_semaphore, #tpu.memory_space<semaphore_mem>>
      %dma_start3A_13 = tpu.memref_slice %arg6[%mul3A_2] : memref<16384xf32, #tpu.memory_space<hbm>> -> memref<512xf32, #tpu.memory_space<hbm>>
      %dma_start3A_14 = tpu.memref_slice %arg6[%mul3A_2] : memref<16384xf32, #tpu.memory_space<hbm>> -> memref<512xf32, #tpu.memory_space<hbm>>
      tpu.enqueue_dma source(%arg11 : memref<512xf32, #tpu.memory_space<vmem>>) target(%dma_start3A_14 : memref<512xf32, #tpu.memory_space<hbm>>) target_semaphore(%run_scoped3A : memref<!tpu.dma_semaphore, #tpu.memory_space<semaphore_mem>>)
      %dma_wait3A_15 = tpu.memref_slice %arg6[%mul3A_2] : memref<16384xf32, #tpu.memory_space<hbm>> -> memref<512xf32, #tpu.memory_space<hbm>>
      %dma_wait3A_16 = tpu.memref_slice %arg6[%mul3A_2] : memref<16384xf32, #tpu.memory_space<hbm>> -> memref<512xf32, #tpu.memory_space<hbm>>
      tpu.wait_dma2 semaphore(%run_scoped3A : memref<!tpu.dma_semaphore, #tpu.memory_space<semaphore_mem>>) src(%arg11 : memref<512xf32, #tpu.memory_space<vmem>>) dst(%dma_wait3A_16 : memref<512xf32, #tpu.memory_space<hbm>>)
      tpu.yield
    }) : () -> ()
    return
  }
}

</mosaic_0001>

<sc_bundles>
// kernel: kernel.3.cloned.1.call-start
scs
__scs_entry_jumppad:
0x0: {  	(pc) =	sbr.rel $0x88, $3  }
0x1: {  	(tag) =	ssettag $0x0;
	lr =	simm.s32 $0x1  }
0x2: {  	[smem:$0x3F9D] =	sst lr;
	_ =	strace $0xD0000000  }
0x3: {  	_ = 	snop  }
0x4: {  	_ = 	snop  }
0x5: {  	_ = 	snop  }
0x6: {  	_ = 	snop  }
0x7: {  	_ = 	snop  }
__scs_overlays_trampoline_lowered:
0x8: {  	[smem:$0x3FAC] =	sst s0  }
0x9: {  	[smem:$0x3FAD] =	sst s1  }
0xa: {  	[smem:$0x3FAE] =	sst s2  }
0xb: {  	[smem:$0x3FAF] =	sst s3  }
0xc: {  	[smem:$0x3FB0] =	sst s4  }
0xd: {  	[smem:$0x3FB1] =	sst s5  }
0xe: {  	[smem:$0x3FB2] =	sst s6  }
0xf: {  	[smem:$0x3FB3] =	sst s7  }
0x10: {  	[smem:$0x3FB4] =	sst s8  }
0x11: {  	[smem:$0x3FB5] =	sst s9;
	s0 =	simm.s32 @!p0 $0x0  }
0x12: {  	s1 =	sld [smem:$0x3F9B];
	s0 =	simm.s32 @p0 $0x1  }
0x13: {  	[smem:$0x3FB6] =	sst s0;
	s0 =	simm.s32 @!p1 $0x0  }
0x14: {  	s2 =	sld [smem:$0x3F9A];
	s0 =	simm.s32 @p1 $0x1  }
0x15: {  	[smem:$0x3FB7] =	sst s0;
	s0 =	simm.s32 @!p2 $0x0  }
0x16: {  	s3 =	sld [smem:$0x3FDB];
	s0 =	simm.s32 @p2 $0x1  }
0x17: {  	s4 =	simm.s32 $0x1BF5;
	[smem:$0x3FB9] =	sst s0  }
0x18: {  	s0 =	sld [smem:$0x3F9C];
	_ =	swait.ge [sflag:s4], $0x0  }
0x19: {  	s7 =	sld [smem:$0x3F9D]  }
0x1a: {  	s8 =	sadd.s32 $0xFFFFE003, lr  }
0x1b: {  	s9 =	sadd.s32 $0xFFFFFEF7, lr;
	s5 =	simm.s32 $0xFFFFFFFF;
	p2 =	slt.u32 s8, $0xFFFFF086  }
0x1c: {  	p1 =	slt.u32 s9, $0xF7A;
	s5 =	simm.s32 @!p2 $0x0  }
0x1d: {  	s5 =	simm.s32 @p1 $0x1;
	p0 =	seq.s32 s7, s2  }
0x1e: {  	s7 =	smul.u32 @!p0 $0xF7A, s2;
	p2 =	seq.s32 @!p0 s5, $0x0  }
0x1f: {  	s9 =	smul.u32 $0xF7A, s1;
	s8 =	simm.s32 @!p0 $0x1BF5;
	p2 =	por !p2, p0  }
0x20: {  	[sflag:s8] =	ssyncset.s32 @!p0 $0xFFFFF086;
	s6 =	sadd.s32 @!p0 s3, s7;
	s7 =	simm.s32 @!p0 $0x108  }
0x21: {  	s3 =	sadd.s32 s3, s9;
	s6 =	sadd.s32 @!p0 $0x88, s6;
	s7 =	simm.s32 @p2 $0x1082  }
0x22: {  	[simem:s7], [sflag:s8] =	dma.local @!p0 [hbm:s6], $0xF7A  }
0x23: {  	s9 =	sor.u32 $0xD0000000, s2;
	s6 =	simm.s32 $0x108;
	_ =	swait.ge @!p0 [sflag:s8], $0x0  }
0x24: {  	s3 =	sadd.s32 $0x88, s3;
	s6 =	simm.s32 @!p1 $0x1082;
	[sflag:s4] =	ssyncset.s32 $0xFFFFF086  }
0x25: {  	[simem:s6], [sflag:s4] =	dma.local [hbm:s3], $0xF7A  }
0x26: {  	[smem:$0x3F9D] =	sst s1;
	(tag) =	ssettag s2;
	_ =	strace s9  }
0x27: {  	s1 =	sld [smem:$0x3FAD]  }
0x28: {  	s2 =	sld [smem:$0x3FAE]  }
0x29: {  	s4 =	sld [smem:$0x3FB0]  }
0x2a: {  	p0 =	seq.s32 s5, $0x0;
	s5 =	sld [smem:$0x3FB1]  }
0x2b: {  	s6 =	sld [smem:$0x3FB2]  }
0x2c: {  	s7 =	sld [smem:$0x3FB3]  }
0x2d: {  	s3 =	simm.s32 $0x108;
	s8 =	sld [smem:$0x3FB4]  }
0x2e: {  	s3 =	simm.s32 @!p0 $0x1082;
	s9 =	sld [smem:$0x3FB5]  }
0x2f: {  	lr =	sadd.s32 s0, s3;
	s0 =	sld [smem:$0x3FAC]  }
0x30: {  	s3 =	sld [smem:$0x3FAF]  }
0x31: {  	[smem:$0x3FB8] =	sst s10  }
0x32: {  	s10 =	sld [smem:$0x3FB6];
	_ =	sdelay $0x3  }
0x33: {  	p0 =	seq.s32 s10, $0x1;
	s10 =	sld [smem:$0x3FB8];
	_ =	sdelay $0x3  }
0x34: {  	[smem:$0x3FB8] =	sst s10  }
0x35: {  	s10 =	sld [smem:$0x3FB7];
	_ =	sdelay $0x3  }
0x36: {  	p1 =	seq.s32 s10, $0x1;
	s10 =	sld [smem:$0x3FB8];
	_ =	sdelay $0x3  }
0x37: {  	[smem:$0x3FB8] =	sst s10  }
0x38: {  	s10 =	sld [smem:$0x3FB9]  }
0x39: {  	_ = 	snop;
	(pc) =	sbr.ind lr, $3  }
0x3a: {  	_ = 	snop  }
0x3b: {  	_ = 	snop  }
0x3c: {  	p2 =	seq.s32 s10, $0x1;
	s10 =	sld [smem:$0x3FB8]  }
0x3d: {  	_ =	shalt  }
0x3e: {  	_ =	shalt  }
0x3f: {  	_ =	shalt  }
0x40: {  	_ =	shalt  }
0x41: {  	_ =	shalt  }
0x42: {  	_ =	shalt  }
0x43: {  	_ =	shalt  }
0x44: {  	_ =	shalt  }
0x45: {  	_ =	shalt  }
0x46: {  	_ =	shalt  }
0x47: {  	_ =	shalt  }
0x48: {  	_ =	shalt  }
0x49: {  	_ =	shalt  }
0x4a: {  	_ =	shalt  }
0x4b: {  	_ =	shalt  }
0x4c: {  	_ =	shalt  }
0x4d: {  	_ =	shalt  }
0x4e: {  	_ =	shalt  }
0x4f: {  	_ =	shalt  }
0x50: {  	_ =	shalt  }
0x51: {  	_ =	shalt  }
0x52: {  	_ =	shalt  }
0x53: {  	_ =	shalt  }
0x54: {  	_ =	shalt  }
0x55: {  	_ =	shalt  }
0x56: {  	_ =	shalt  }
0x57: {  	_ =	shalt  }
0x58: {  	_ =	shalt  }
0x59: {  	_ =	shalt  }
0x5a: {  	_ =	shalt  }
0x5b: {  	_ =	shalt  }
0x5c: {  	_ =	shalt  }
0x5d: {  	_ =	shalt  }
0x5e: {  	_ =	shalt  }
0x5f: {  	_ =	shalt  }
0x60: {  	_ =	shalt  }
0x61: {  	_ =	shalt  }
0x62: {  	_ =	shalt  }
0x63: {  	_ =	shalt  }
0x64: {  	_ =	shalt  }
0x65: {  	_ =	shalt  }
0x66: {  	_ =	shalt  }
0x67: {  	_ =	shalt  }
0x68: {  	_ =	shalt  }
0x69: {  	_ =	shalt  }
0x6a: {  	_ =	shalt  }
0x6b: {  	_ =	shalt  }
0x6c: {  	_ =	shalt  }
0x6d: {  	_ =	shalt  }
0x6e: {  	_ =	shalt  }
0x6f: {  	_ =	shalt  }
0x70: {  	_ =	shalt  }
0x71: {  	_ =	shalt  }
0x72: {  	_ =	shalt  }
0x73: {  	_ =	shalt  }
0x74: {  	_ =	shalt  }
0x75: {  	_ =	shalt  }
0x76: {  	_ =	shalt  }
0x77: {  	_ =	shalt  }
0x78: {  	_ =	shalt  }
0x79: {  	_ =	shalt  }
0x7a: {  	_ =	shalt  }
0x7b: {  	_ =	shalt  }
0x7c: {  	_ =	shalt  }
0x7d: {  	_ =	shalt  }
0x7e: {  	_ =	shalt  }
0x7f: {  	_ =	shalt  }
0x80: {  	_ =	shalt  }
0x81: {  	_ =	shalt  }
0x82: {  	_ =	shalt  }
0x83: {  	_ =	shalt  }
0x84: {  	_ =	shalt  }
0x85: {  	_ =	shalt  }
0x86: {  	_ =	shalt  }
0x87: {  	_ =	shalt  }
.Lfunc_end0:
.L_simem_size_0:
called_computation_lowered:
.L_overlay_start_0:
0x88: {  	s2 =	sld [smem:$0x3FD9]  }
0x89: {  	s3 =	sld [smem:$0x3FFE];
	_ =	sdelay $0x1  }
0x8a: {  	s1 =	srdreg.scid  }
0x8b: {  	s0 =	sand.u32 $0x1, s1  }
0x8c: {  	s18 =	sshll.u32 s0, $0xA;
	s2 =	sadd.s32 s3, s2  }
0x8d: {  	s2 =	sadd.s32 s2, s18  }
0x8e: {  	[smem:$0x3FC4] =	sst s2  }
0x8f: {  	_ = 	snop  }
0x90: {  	s2 =	sld [smem:$0x3FC9]  }
0x91: {  	s19 =	sld [smem:$0x3FC8]  }
0x92: {  	s4 =	sld [smem:$0x3FC7]  }
0x93: {  	s5 =	sld [smem:$0x3FC6]  }
0x94: {  	s6 =	sld [smem:$0x3FD0];
	(tm) =	ssettm $0x1  }
0x95: {  	s7 =	sld [smem:$0x3FFB];
	_ =	sdelay $0x3  }
0x96: {  	_ =	strace s7  }
0x97: {  	s7 =	sld [smem:$0x3FFC];
	_ =	sdelay $0x3  }
0x98: {  	_ =	strace s7  }
0x99: {  	s7 =	sld [smem:$0x3FFD];
	_ =	sdelay $0x3  }
0x9a: {  	_ =	strace s7  }
0x9b: {  	_ =	strace $0x8FFFFFFF  }
0x9c: {  	s20 =	sld [smem:$0x3FDB];
	_ =	sdelay $0x1  }
0x9d: {  	s8 =	simm.s32 $_scs_section_size  }
0x9e: {  	s9 =	simm.s32 $_size__tile_overlayer_lowered;
	s10 =	simm.s32 $_tile_overlayer_lowered  }
0x9f: {  	s23 =	simm.s32 $0x1BFF;
	s22 =	sshll.u32 s10, $0x1;
	s7 =	sadd.s32 s8, s20  }
0xa0: {  	s11 =	simm.s32 $0x0;
	s21 =	sshll.u32 s9, $0x1;
	s9 =	sadd.s32 s22, s7  }
0xa1: {  	[timem:s11], [sflag:s23] =	dma.local [hbm:s9], s21  }
0xa2: {  	_ =	swait.ge [sflag:s23], s21  }
0xa3: {  	s8 =	ssub.s32 $0x0, s21;
	[sflag:s23] =	ssyncset.done $0x0  }
0xa4: {  	[sflag:s23] =	ssyncadd.s32 s8;
	_ =	sdelay $0x1  }
0xa5: {  	s24 =	simm.s32 $0x1B8B  }
0xa6: {  	_ =	swait.ge [sflag:s24], $0x1  }
0xa7: {  	[sflag:s24] =	ssyncset.done $0x0  }
0xa8: {  	s25 =	simm.s32 $0x1B8E;
	[sflag:s24] =	ssyncadd.s32 $0xFFFFFFFF  }
0xa9: {  	s26 =	simm.s32 $execute0_lowered;
	[smem:$0x3FD2] =	sst s25  }
0xaa: {  	s8 =	sshll.u32 s26, $0x1;
	_ =	strace $0x80000046;
	[dreg:$0x1] =	wrdreg $0xFFFFFFFF  }
0xab: {  	s28 =	simm.s32 $_size_execute0_lowered;
	s7 =	sadd.s32 s7, s8;
	[dreg:$0x0] =	wrdreg $0x0  }
0xac: {  	s8 =	sshll.u32 s28, $0x1;
	[dreg:$0x2] =	wrdreg s7  }
0xad: {  	[dreg:$0x3] =	wrdreg s8  }
0xae: {  	[dreg:$0x4] =	wrdreg $0xC0  }
0xaf: {  	_ =	task [dreg:s11], $0x5FFFF  }
0xb0: {  	[dreg:$0x1] =	wrdreg $0xFFFFFFFF  }
0xb1: {  	[dreg:$0x0] =	wrdreg $0x60  }
0xb2: {  	[dreg:$0x2] =	wrdreg s2  }
0xb3: {  	[dreg:$0x3] =	wrdreg s19  }
0xb4: {  	[dreg:$0x4] =	wrdreg s4  }
0xb5: {  	[dreg:$0x5] =	wrdreg s5  }
0xb6: {  	[dreg:$0x6] =	wrdreg s6  }
0xb7: {  	[dreg:$0x7] =	wrdreg $0x9  }
0xb8: {  	_ =	task.clear_ibuf [dreg:s11], $0x8FFFF;
	_ =	strace $0x90000046  }
0xb9: {  	s29 =	simm.s32 $0x9;
	_ =	strace $0x80000048  }
0xba: {  	_ =	swait.ge [sflag:s29], $0x1  }
0xbb: {  	[sflag:s29] =	ssyncadd.s32 $0xFFFFFFFF  }
0xbc: {  	_ =	strace $0x90000048  }
0xbd: {  	_ =	sfence  }
0xbe: {  	s30 =	sld [smem:$0x0];
	_ =	sdelay $0x2  }
0xbf: {  	s31 =	sshll.u32 s1, $0xD;
	s1 =	sshrl.u32 s1, $0x2  }
0xc0: {  	s3 =	sand.u32 $0x4000, s31;
	s1 =	sadd.s32 s1, s30  }
0xc1: {  	s0 =	sor.u32 s3, s0;
	s1 =	sshll.u32 s1, $0x11  }
0xc2: {  	s0 =	sor.u32 s1, s0  }
0xc3: {  	s0 =	sadd.s32 $0x8F2B, s0  }
0xc4: {  	[sflag:s0] =	ssyncadd.remote.s32 $0x1  }
0xc5: {  	_ =	sfence.sel $0xFFFF  }
0xc6: {  	[dreg:$0x0] =	wrdreg $0xFFFFFFFF;
	(pc) =	sbr.abs _section_cstart, $3  }
0xc7: {  	[dreg:$0x1] =	wrdreg $0xFFFFFFFF  }
0xc8: {  	_ =	task.clear_ibuf [dreg:s11], $0x2FFFF;
	_ =	strace $0x9FFFFFFF  }
0xc9: {  	(tm) =	ssettm $0x7FFFFFFF  }
tec
execute0_lowered:
.L_overlay_start_1:
0x0: {  	(tag) =	ssettag $0x1  }
0x1: {  	s3 =	rddreg [dreg:$0x0]  }
0x2: {  	s4 =	rddreg [dreg:$0x1]  }
0x3: {  	s0 =	rddreg [dreg:$0x2]  }
0x4: {  	s28 =	rddreg [dreg:$0x3]  }
0x5: {  	s5 =	rddreg [dreg:$0x4]  }
0x6: {  	[dreg:$0x6] =	wrdreg s0  }
0x7: {  	[dreg:$0x7] =	wrdreg s28  }
0x8: {  	s1 =	simm.s32 $0x0;
	s0 =	rddreg [dreg:$0x5]  }
0x9: {  	s2 =	simm.s32 $0x8400;
	[smem:$0x7FF] =	sst s1  }
0xa: {  	s29 =	simm.s32 $0xC00;
	_ =	strace $0x80000047;
	[dreg:$0x8] =	wrdreg s2  }
0xb: {  	s30 =	simm.s32 $0x8C00;
	[dreg:$0x9] =	wrdreg s29  }
0xc: {  	s31 =	simm.s32 $0x1400;
	[dreg:$0xa] =	wrdreg s30  }
0xd: {  	s6 =	simm.s32 $0x9400;
	[dreg:$0xb] =	wrdreg s31  }
0xe: {  	s7 =	simm.s32 $0x1C00;
	[dreg:$0xc] =	wrdreg s6  }
0xf: {  	s8 =	simm.s32 $0x9C00;
	[dreg:$0xd] =	wrdreg s7  }
0x10: {  	s9 =	simm.s32 $0x2400;
	[dreg:$0xe] =	wrdreg s8  }
0x11: {  	s10 =	simm.s32 $0xA400;
	[dreg:$0xf] =	wrdreg s9  }
0x12: {  	s11 =	simm.s32 $0x2C00;
	[dreg:$0x10] =	wrdreg s10  }
0x13: {  	s12 =	simm.s32 $0xAC00;
	[dreg:$0x11] =	wrdreg s11  }
0x14: {  	s13 =	simm.s32 $0x3400;
	[dreg:$0x12] =	wrdreg s12  }
0x15: {  	s14 =	simm.s32 $0xB400;
	[dreg:$0x13] =	wrdreg s13  }
0x16: {  	s15 =	simm.s32 $0x3C00;
	[dreg:$0x14] =	wrdreg s14  }
0x17: {  	s16 =	simm.s32 $0xBC00;
	[dreg:$0x15] =	wrdreg s15  }
0x18: {  	s17 =	simm.s32 $0xC400;
	[dreg:$0x16] =	wrdreg s16  }
0x19: {  	s18 =	simm.s32 $0x4C00;
	[dreg:$0x18] =	wrdreg s17  }
0x1a: {  	s19 =	simm.s32 $0xCC00;
	[dreg:$0x19] =	wrdreg s18  }
0x1b: {  	s20 =	simm.s32 $0x5400;
	[dreg:$0x1a] =	wrdreg s19  }
0x1c: {  	s21 =	simm.s32 $0xD400;
	[dreg:$0x1b] =	wrdreg s20  }
0x1d: {  	s23 =	simm.s32 $0x5C00;
	[dreg:$0x1c] =	wrdreg s21  }
0x1e: {  	s24 =	simm.s32 $0xDC00;
	[dreg:$0x1d] =	wrdreg s23  }
0x1f: {  	s25 =	simm.s32 $0x6400;
	[dreg:$0x1e] =	wrdreg s24  }
0x20: {  	s26 =	simm.s32 $0xE400;
	[dreg:$0x1f] =	wrdreg s25  }
0x21: {  	s28 =	simm.s32 $0x6C00;
	s6 =	srdreg.scid;
	[smem:$0x7F7] =	sst s26  }
0x22: {  	s7 =	simm.s32 $0x4400;
	s2 =	stileid.u32;
	[smem:$0x7F8] =	sst s28  }
0x23: {  	s29 =	simm.s32 $0xEC00;
	s30 =	simm.s32 $0x7400;
	s31 =	simm.s32 $0xF400  }
0x24: {  	s10 =	simm.s32 $0x7C00;
	s11 =	simm.s32 $0xFC00;
	[dreg:$0x17] =	wrdreg s7  }
0x25: {  	s12 =	simm.s32 $0x10400;
	s13 =	simm.s32 $0x3;
	[smem:$0x7F9] =	sst s29  }
0x26: {  	s14 =	simm.s32 $0x0;
	s6 =	sand.u32 $0x1, s6;
	[smem:$0x7FA] =	sst s30  }
0x27: {  	s22 =	sshll.u32 s2, $0x7;
	s7 =	simm.s32 $0x200;
	[smem:$0x7FB] =	sst s31  }
0x28: {  	[smem:$0x7FC] =	sst s10;
	s10 =	simm.s32 $0x400;
	s8 =	ssub.s32 $0x2, s6  }
0x29: {  	[smem:$0x7FD] =	sst s11;
	s6 =	sshll.u32 s6, $0x6;
	s9 =	sshrl.u32 s8, $0x1  }
0x2a: {  	s11 =	simm.s32 $0x1;
	s6 =	sor.u32 s6, s22;
	s8 =	ssub.s32 s8, s9  }
0x2b: {  	s3 =	sadd.s32 s3, s6;
	s4 =	sadd.s32 s4, s6;
	s5 =	sadd.s32 s5, s6  }
0x2c: {  	s9 =	simm.s32 $0x7A1400;
	s6 =	smax.u32 s8, $0x1;
	s8 =	simm.s32 $0x2  }
.LBB2_1:
0x2d: {  	[tilespmem:s1], [sflag:$0x2] =	stream.linear.gather [hbm4b:s3+s1], $0x200, $0x38;
	[tilespmem:$0x10600] =	vst v63  }
0x2e: {  	_ = 	snop  }
0x2f: {  	[tilespmem:s7], [sflag:$0x2] =	stream.linear.gather [hbm4b:s4+s1], $0x200, $0x38;
	[tilespmem:$0x10600] =	vst v63  }
0x30: {  	_ =	swait.ge [sflag:s8], $0x200  }
0x31: {  	[sflag:s8] =	ssyncset.done $0x0  }
0x32: {  	[sflag:s8] =	ssyncadd.s32 $0xFFFFFE00  }
0x33: {  	_ =	swait.ge [sflag:s8], $0x200  }
0x34: {  	[sflag:s8] =	ssyncset.done $0x0  }
0x35: {  	s15 =	simm.s32 $0x0;
	[sflag:s8] =	ssyncadd.s32 $0xFFFFFE00  }
0x36: {  	v0 =	vld [tilespmem:s15+$0x0];
	_ =	sdelay $0x1  }
0x37: {  	v1 =	vld [tilespmem:s15+$0x200];
	_ =	sdelay $0x2  }
0x38: {  	s16 =	rddreg [dreg:$0x6];
	v0 =	vand.u32 $0xFFFFFF80, v0  }
0x39: {  	v2 =	vadd.s32 s16, v0  }
0x3a: {  	s17 =	rddreg [dreg:$0x7];
	v1 =	vand.u32 $0xFFFFFF80, v1;
	(v2sf) =	vpush v2, $0x0  }
0x3b: {  	v1 =	vadd.s32 s17, v1  }
0x3c: {  	(v2sf) =	vpush v1, $0x0;
	_ =	sdelay $0x1  }
0x3d: {  	(v2sf) =	vpush v2, $0x1;
	_ =	sdelay $0x1  }
0x3e: {  	(v2sf) =	vpush v1, $0x1;
	_ =	sdelay $0x1  }
0x3f: {  	(v2sf) =	vpush v2, $0x2;
	_ =	sdelay $0x1  }
0x40: {  	(v2sf) =	vpush v1, $0x2;
	_ =	sdelay $0x1  }
0x41: {  	(v2sf) =	vpush v2, $0x3;
	_ =	sdelay $0x1  }
0x42: {  	(v2sf) =	vpush v1, $0x3  }
0x43: {  	s31 =	rddreg [dreg:$0x8];
	s18 =	spop (v2sf)  }
0x44: {  	(v2sf) =	vpush v2, $0x4;
	[tilespmem:s10], [sflag:$0x1] =	stream.strided.gather [hbm4b:s18+s10], $0x800, s9, s10, $0x38;
	[tilespmem:$0x10600] =	vst v63  }
0x45: {  	s19 =	rddreg [dreg:$0x9];
	s18 =	spop (v2sf)  }
0x46: {  	(v2sf) =	vpush v1, $0x4;
	[tilespmem:s31], [sflag:$0x1] =	stream.strided.gather [hbm4b:s18+s10], $0x800, s9, s10, $0x38;
	[tilespmem:$0x10600] =	vst v63  }
0x47: {  	s20 =	rddreg [dreg:$0xa];
	s21 =	spop (v2sf)  }
0x48: {  	(v2sf) =	vpush v2, $0x5;
	[tilespmem:s19], [sflag:$0x1] =	stream.strided.gather [hbm4b:s21+s10], $0x800, s9, s10, $0x38;
	[tilespmem:$0x10600] =	vst v63  }
0x49: {  	s22 =	rddreg [dreg:$0xb];
	s23 =	spop (v2sf)  }
0x4a: {  	(v2sf) =	vpush v1, $0x5;
	[tilespmem:s20], [sflag:$0x1] =	stream.strided.gather [hbm4b:s23+s10], $0x800, s9, s10, $0x38;
	[tilespmem:$0x10600] =	vst v63  }
0x4b: {  	s24 =	rddreg [dreg:$0xc];
	s25 =	spop (v2sf)  }
0x4c: {  	(v2sf) =	vpush v2, $0x6;
	[tilespmem:s22], [sflag:$0x1] =	stream.strided.gather [hbm4b:s25+s10], $0x800, s9, s10, $0x38;
	[tilespmem:$0x10600] =	vst v63  }
0x4d: {  	s26 =	rddreg [dreg:$0xd];
	s28 =	spop (v2sf)  }
0x4e: {  	(v2sf) =	vpush v1, $0x6;
	[tilespmem:s24], [sflag:$0x1] =	stream.strided.gather [hbm4b:s28+s10], $0x800, s9, s10, $0x38;
	[tilespmem:$0x10600] =	vst v63  }
0x4f: {  	s29 =	rddreg [dreg:$0xe];
	s30 =	spop (v2sf)  }
0x50: {  	(v2sf) =	vpush v2, $0x7;
	[tilespmem:s26], [sflag:$0x1] =	stream.strided.gather [hbm4b:s30+s10], $0x800, s9, s10, $0x38;
	[tilespmem:$0x10600] =	vst v63  }
0x51: {  	s31 =	rddreg [dreg:$0xf];
	s19 =	spop (v2sf)  }
0x52: {  	(v2sf) =	vpush v1, $0x7;
	[tilespmem:s29], [sflag:$0x1] =	stream.strided.gather [hbm4b:s19+s10], $0x800, s9, s10, $0x38;
	[tilespmem:$0x10600] =	vst v63  }
0x53: {  	s20 =	rddreg [dreg:$0x10];
	s21 =	spop (v2sf)  }
0x54: {  	(v2sf) =	vpush v2, $0x8;
	[tilespmem:s31], [sflag:$0x1] =	stream.strided.gather [hbm4b:s21+s10], $0x800, s9, s10, $0x38;
	[tilespmem:$0x10600] =	vst v63  }
0x55: {  	s22 =	rddreg [dreg:$0x11];
	s23 =	spop (v2sf)  }
0x56: {  	(v2sf) =	vpush v1, $0x8;
	[tilespmem:s20], [sflag:$0x1] =	stream.strided.gather [hbm4b:s23+s10], $0x800, s9, s10, $0x38;
	[tilespmem:$0x10600] =	vst v63  }
0x57: {  	s24 =	rddreg [dreg:$0x12];
	s25 =	spop (v2sf)  }
0x58: {  	(v2sf) =	vpush v2, $0x9;
	[tilespmem:s22], [sflag:$0x1] =	stream.strided.gather [hbm4b:s25+s10], $0x800, s9, s10, $0x38;
	[tilespmem:$0x10600] =	vst v63  }
0x59: {  	s26 =	rddreg [dreg:$0x13];
	s28 =	spop (v2sf)  }
0x5a: {  	(v2sf) =	vpush v1, $0x9;
	[tilespmem:s24], [sflag:$0x1] =	stream.strided.gather [hbm4b:s28+s10], $0x800, s9, s10, $0x38;
	[tilespmem:$0x10600] =	vst v63  }
0x5b: {  	s29 =	rddreg [dreg:$0x14];
	s30 =	spop (v2sf)  }
0x5c: {  	(v2sf) =	vpush v2, $0xA;
	[tilespmem:s26], [sflag:$0x1] =	stream.strided.gather [hbm4b:s30+s10], $0x800, s9, s10, $0x38;
	[tilespmem:$0x10600] =	vst v63  }
0x5d: {  	s31 =	rddreg [dreg:$0x15];
	s19 =	spop (v2sf)  }
0x5e: {  	(v2sf) =	vpush v1, $0xA;
	[tilespmem:s29], [sflag:$0x1] =	stream.strided.gather [hbm4b:s19+s10], $0x800, s9, s10, $0x38;
	[tilespmem:$0x10600] =	vst v63  }
0x5f: {  	s20 =	rddreg [dreg:$0x16];
	s21 =	spop (v2sf)  }
0x60: {  	(v2sf) =	vpush v2, $0xB;
	[tilespmem:s31], [sflag:$0x1] =	stream.strided.gather [hbm4b:s21+s10], $0x800, s9, s10, $0x38;
	[tilespmem:$0x10600] =	vst v63  }
0x61: {  	s22 =	rddreg [dreg:$0x17];
	s23 =	spop (v2sf)  }
0x62: {  	(v2sf) =	vpush v1, $0xB;
	[tilespmem:s20], [sflag:$0x1] =	stream.strided.gather [hbm4b:s23+s10], $0x800, s9, s10, $0x38;
	[tilespmem:$0x10600] =	vst v63  }
0x63: {  	s24 =	rddreg [dreg:$0x18];
	s25 =	spop (v2sf)  }
0x64: {  	(v2sf) =	vpush v2, $0xC;
	[tilespmem:s22], [sflag:$0x1] =	stream.strided.gather [hbm4b:s25+s10], $0x800, s9, s10, $0x38;
	[tilespmem:$0x10600] =	vst v63  }
0x65: {  	s26 =	rddreg [dreg:$0x19];
	s28 =	spop (v2sf)  }
0x66: {  	(v2sf) =	vpush v1, $0xC;
	[tilespmem:s24], [sflag:$0x1] =	stream.strided.gather [hbm4b:s28+s10], $0x800, s9, s10, $0x38;
	[tilespmem:$0x10600] =	vst v63  }
0x67: {  	s29 =	rddreg [dreg:$0x1a];
	s30 =	spop (v2sf)  }
0x68: {  	(v2sf) =	vpush v2, $0xD;
	[tilespmem:s26], [sflag:$0x1] =	stream.strided.gather [hbm4b:s30+s10], $0x800, s9, s10, $0x38;
	[tilespmem:$0x10600] =	vst v63  }
0x69: {  	s31 =	rddreg [dreg:$0x1b];
	s19 =	spop (v2sf)  }
0x6a: {  	(v2sf) =	vpush v1, $0xD;
	[tilespmem:s29], [sflag:$0x1] =	stream.strided.gather [hbm4b:s19+s10], $0x800, s9, s10, $0x38;
	[tilespmem:$0x10600] =	vst v63  }
0x6b: {  	s20 =	rddreg [dreg:$0x1c];
	s21 =	spop (v2sf)  }
0x6c: {  	(v2sf) =	vpush v2, $0xE;
	[tilespmem:s31], [sflag:$0x1] =	stream.strided.gather [hbm4b:s21+s10], $0x800, s9, s10, $0x38;
	[tilespmem:$0x10600] =	vst v63  }
0x6d: {  	s22 =	rddreg [dreg:$0x1d];
	s23 =	spop (v2sf)  }
0x6e: {  	(v2sf) =	vpush v1, $0xE;
	[tilespmem:s20], [sflag:$0x1] =	stream.strided.gather [hbm4b:s23+s10], $0x800, s9, s10, $0x38;
	[tilespmem:$0x10600] =	vst v63  }
0x6f: {  	s24 =	rddreg [dreg:$0x1e];
	s25 =	spop (v2sf)  }
0x70: {  	(v2sf) =	vpush v2, $0xF;
	[tilespmem:s22], [sflag:$0x1] =	stream.strided.gather [hbm4b:s25+s10], $0x800, s9, s10, $0x38;
	[tilespmem:$0x10600] =	vst v63  }
0x71: {  	s26 =	rddreg [dreg:$0x1f];
	s28 =	spop (v2sf)  }
0x72: {  	(v2sf) =	vpush v1, $0xF;
	[tilespmem:s24], [sflag:$0x1] =	stream.strided.gather [hbm4b:s28+s10], $0x800, s9, s10, $0x38;
	[tilespmem:$0x10600] =	vst v63  }
0x73: {  	s29 =	sld [smem:$0x7F7];
	s30 =	spop (v2sf)  }
0x74: {  	[tilespmem:s26], [sflag:$0x1] =	stream.strided.gather [hbm4b:s30+s10], $0x800, s9, s10, $0x38;
	[tilespmem:$0x10600] =	vst v63  }
0x75: {  	s31 =	sld [smem:$0x7F8];
	s19 =	spop (v2sf)  }
0x76: {  	[tilespmem:s29], [sflag:$0x1] =	stream.strided.gather [hbm4b:s19+s10], $0x800, s9, s10, $0x38;
	[tilespmem:$0x10600] =	vst v63  }
0x77: {  	s20 =	sld [smem:$0x7F9];
	s21 =	spop (v2sf)  }
0x78: {  	[tilespmem:s31], [sflag:$0x1] =	stream.strided.gather [hbm4b:s21+s10], $0x800, s9, s10, $0x38;
	[tilespmem:$0x10600] =	vst v63  }
0x79: {  	s22 =	sld [smem:$0x7FA];
	s23 =	spop (v2sf)  }
0x7a: {  	[tilespmem:s20], [sflag:$0x1] =	stream.strided.gather [hbm4b:s23+s10], $0x800, s9, s10, $0x38;
	[tilespmem:$0x10600] =	vst v63  }
0x7b: {  	s24 =	sld [smem:$0x7FB];
	s25 =	spop (v2sf)  }
0x7c: {  	[tilespmem:s22], [sflag:$0x1] =	stream.strided.gather [hbm4b:s25+s10], $0x800, s9, s10, $0x38;
	[tilespmem:$0x10600] =	vst v63  }
0x7d: {  	s26 =	sld [smem:$0x7FC];
	s28 =	spop (v2sf)  }
0x7e: {  	[tilespmem:s24], [sflag:$0x1] =	stream.strided.gather [hbm4b:s28+s10], $0x800, s9, s10, $0x38;
	[tilespmem:$0x10600] =	vst v63  }
0x7f: {  	s29 =	sld [smem:$0x7FD];
	s30 =	spop (v2sf)  }
0x80: {  	[tilespmem:s26], [sflag:$0x1] =	stream.strided.gather [hbm4b:s30+s10], $0x800, s9, s10, $0x38;
	[tilespmem:$0x10600] =	vst v63  }
0x81: {  	s31 =	spop (v2sf)  }
0x82: {  	[tilespmem:s29], [sflag:$0x1] =	stream.strided.gather [hbm4b:s31+s10], $0x800, s9, s10, $0x38;
	[tilespmem:$0x10600] =	vst v63  }
0x83: {  	_ =	swait.ge [sflag:s11], $0x800  }
0x84: {  	[sflag:s11] =	ssyncset.done $0x0  }
0x85: {  	[sflag:s11] =	ssyncadd.s32 $0xFFFFF800  }
0x86: {  	_ =	swait.ge [sflag:s11], $0x800  }
0x87: {  	[sflag:s11] =	ssyncset.done $0x0  }
0x88: {  	[sflag:s11] =	ssyncadd.s32 $0xFFFFF800  }
0x89: {  	_ =	swait.ge [sflag:s11], $0x800  }
0x8a: {  	[sflag:s11] =	ssyncset.done $0x0  }
0x8b: {  	[sflag:s11] =	ssyncadd.s32 $0xFFFFF800  }
0x8c: {  	_ =	swait.ge [sflag:s11], $0x800  }
0x8d: {  	[sflag:s11] =	ssyncset.done $0x0  }
0x8e: {  	[sflag:s11] =	ssyncadd.s32 $0xFFFFF800  }
0x8f: {  	_ =	swait.ge [sflag:s11], $0x800  }
0x90: {  	[sflag:s11] =	ssyncset.done $0x0  }
0x91: {  	[sflag:s11] =	ssyncadd.s32 $0xFFFFF800  }
0x92: {  	_ =	swait.ge [sflag:s11], $0x800  }
0x93: {  	[sflag:s11] =	ssyncset.done $0x0  }
0x94: {  	[sflag:s11] =	ssyncadd.s32 $0xFFFFF800  }
0x95: {  	_ =	swait.ge [sflag:s11], $0x800  }
0x96: {  	[sflag:s11] =	ssyncset.done $0x0  }
0x97: {  	[sflag:s11] =	ssyncadd.s32 $0xFFFFF800  }
0x98: {  	_ =	swait.ge [sflag:s11], $0x800  }
0x99: {  	[sflag:s11] =	ssyncset.done $0x0  }
0x9a: {  	[sflag:s11] =	ssyncadd.s32 $0xFFFFF800  }
0x9b: {  	_ =	swait.ge [sflag:s11], $0x800  }
0x9c: {  	[sflag:s11] =	ssyncset.done $0x0  }
0x9d: {  	[sflag:s11] =	ssyncadd.s32 $0xFFFFF800  }
0x9e: {  	_ =	swait.ge [sflag:s11], $0x800  }
0x9f: {  	[sflag:s11] =	ssyncset.done $0x0  }
0xa0: {  	[sflag:s11] =	ssyncadd.s32 $0xFFFFF800  }
0xa1: {  	_ =	swait.ge [sflag:s11], $0x800  }
0xa2: {  	[sflag:s11] =	ssyncset.done $0x0  }
0xa3: {  	[sflag:s11] =	ssyncadd.s32 $0xFFFFF800  }
0xa4: {  	_ =	swait.ge [sflag:s11], $0x800  }
0xa5: {  	[sflag:s11] =	ssyncset.done $0x0  }
0xa6: {  	[sflag:s11] =	ssyncadd.s32 $0xFFFFF800  }
0xa7: {  	_ =	swait.ge [sflag:s11], $0x800  }
0xa8: {  	[sflag:s11] =	ssyncset.done $0x0  }
0xa9: {  	[sflag:s11] =	ssyncadd.s32 $0xFFFFF800  }
0xaa: {  	_ =	swait.ge [sflag:s11], $0x800  }
0xab: {  	[sflag:s11] =	ssyncset.done $0x0  }
0xac: {  	[sflag:s11] =	ssyncadd.s32 $0xFFFFF800  }
0xad: {  	_ =	swait.ge [sflag:s11], $0x800  }
0xae: {  	[sflag:s11] =	ssyncset.done $0x0  }
0xaf: {  	[sflag:s11] =	ssyncadd.s32 $0xFFFFF800  }
0xb0: {  	_ =	swait.ge [sflag:s11], $0x800  }
0xb1: {  	[sflag:s11] =	ssyncset.done $0x0  }
0xb2: {  	[sflag:s11] =	ssyncadd.s32 $0xFFFFF800  }
0xb3: {  	_ =	swait.ge [sflag:s11], $0x800  }
0xb4: {  	[sflag:s11] =	ssyncset.done $0x0  }
0xb5: {  	[sflag:s11] =	ssyncadd.s32 $0xFFFFF800  }
0xb6: {  	_ =	swait.ge [sflag:s11], $0x800  }
0xb7: {  	[sflag:s11] =	ssyncset.done $0x0  }
0xb8: {  	[sflag:s11] =	ssyncadd.s32 $0xFFFFF800  }
0xb9: {  	_ =	swait.ge [sflag:s11], $0x800  }
0xba: {  	[sflag:s11] =	ssyncset.done $0x0  }
0xbb: {  	[sflag:s11] =	ssyncadd.s32 $0xFFFFF800  }
0xbc: {  	_ =	swait.ge [sflag:s11], $0x800  }
0xbd: {  	[sflag:s11] =	ssyncset.done $0x0  }
0xbe: {  	[sflag:s11] =	ssyncadd.s32 $0xFFFFF800  }
0xbf: {  	_ =	swait.ge [sflag:s11], $0x800  }
0xc0: {  	[sflag:s11] =	ssyncset.done $0x0  }
0xc1: {  	[sflag:s11] =	ssyncadd.s32 $0xFFFFF800  }
0xc2: {  	_ =	swait.ge [sflag:s11], $0x800  }
0xc3: {  	[sflag:s11] =	ssyncset.done $0x0  }
0xc4: {  	[sflag:s11] =	ssyncadd.s32 $0xFFFFF800  }
0xc5: {  	_ =	swait.ge [sflag:s11], $0x800  }
0xc6: {  	[sflag:s11] =	ssyncset.done $0x0  }
0xc7: {  	[sflag:s11] =	ssyncadd.s32 $0xFFFFF800  }
0xc8: {  	_ =	swait.ge [sflag:s11], $0x800  }
0xc9: {  	[sflag:s11] =	ssyncset.done $0x0  }
0xca: {  	[sflag:s11] =	ssyncadd.s32 $0xFFFFF800  }
0xcb: {  	_ =	swait.ge [sflag:s11], $0x800  }
0xcc: {  	[sflag:s11] =	ssyncset.done $0x0  }
0xcd: {  	[sflag:s11] =	ssyncadd.s32 $0xFFFFF800  }
0xce: {  	_ =	swait.ge [sflag:s11], $0x800  }
0xcf: {  	[sflag:s11] =	ssyncset.done $0x0  }
0xd0: {  	[sflag:s11] =	ssyncadd.s32 $0xFFFFF800  }
0xd1: {  	_ =	swait.ge [sflag:s11], $0x800  }
0xd2: {  	[sflag:s11] =	ssyncset.done $0x0  }
0xd3: {  	[sflag:s11] =	ssyncadd.s32 $0xFFFFF800  }
0xd4: {  	_ =	swait.ge [sflag:s11], $0x800  }
0xd5: {  	[sflag:s11] =	ssyncset.done $0x0  }
0xd6: {  	[sflag:s11] =	ssyncadd.s32 $0xFFFFF800  }
0xd7: {  	_ =	swait.ge [sflag:s11], $0x800  }
0xd8: {  	[sflag:s11] =	ssyncset.done $0x0  }
0xd9: {  	[sflag:s11] =	ssyncadd.s32 $0xFFFFF800  }
0xda: {  	_ =	swait.ge [sflag:s11], $0x800  }
0xdb: {  	[sflag:s11] =	ssyncset.done $0x0  }
0xdc: {  	[sflag:s11] =	ssyncadd.s32 $0xFFFFF800  }
0xdd: {  	_ =	swait.ge [sflag:s11], $0x800  }
0xde: {  	[sflag:s11] =	ssyncset.done $0x0  }
0xdf: {  	[sflag:s11] =	ssyncadd.s32 $0xFFFFF800  }
0xe0: {  	_ =	swait.ge [sflag:s11], $0x800  }
0xe1: {  	[sflag:s11] =	ssyncset.done $0x0  }
0xe2: {  	s16 =	simm.s32 $0x80;
	v0 =	vcvt.s32.f32 v0;
	s18 =	simm.s32 $0x10;
	[sflag:s11] =	ssyncadd.s32 $0xFFFFF800  }
.LBB2_2:
0xe3: {  	v1 =	vld [tilespmem:s18+$0x0]  }
0xe4: {  	[tilespmem:s15+$0x10400] =	vst v0;
	s15 =	smov.u32 s18  }
0xe5: {  	v3 =	vld [tilespmem:s15+$0x200];
	_ =	sdelay $0x2  }
0xe6: {  	s30 =	rddreg [dreg:$0x6];
	v0 =	vand.u32 $0xFFFFFF80, v1  }
0xe7: {  	v2 =	vadd.s32 s30, v0  }
0xe8: {  	s19 =	rddreg [dreg:$0x7];
	v1 =	vand.u32 $0xFFFFFF80, v3;
	(v2sf) =	vpush v2, $0x0  }
0xe9: {  	v1 =	vadd.s32 s19, v1  }
0xea: {  	(v2sf) =	vpush v1, $0x0;
	_ =	sdelay $0x1  }
0xeb: {  	(v2sf) =	vpush v2, $0x1;
	_ =	sdelay $0x1  }
0xec: {  	(v2sf) =	vpush v1, $0x1;
	_ =	sdelay $0x1  }
0xed: {  	(v2sf) =	vpush v2, $0x2;
	_ =	sdelay $0x1  }
0xee: {  	(v2sf) =	vpush v1, $0x2;
	_ =	sdelay $0x1  }
0xef: {  	(v2sf) =	vpush v2, $0x3;
	_ =	sdelay $0x1  }
0xf0: {  	(v2sf) =	vpush v1, $0x3  }
0xf1: {  	s31 =	rddreg [dreg:$0x8];
	s20 =	spop (v2sf)  }
0xf2: {  	(v2sf) =	vpush v2, $0x4;
	[tilespmem:s10], [sflag:$0x1] =	stream.strided.gather [hbm4b:s20+s10], $0x800, s9, s10, $0x38;
	[tilespmem:$0x10600] =	vst v63  }
0xf3: {  	s21 =	rddreg [dreg:$0x9];
	s20 =	spop (v2sf)  }
0xf4: {  	(v2sf) =	vpush v1, $0x4;
	[tilespmem:s31], [sflag:$0x1] =	stream.strided.gather [hbm4b:s20+s10], $0x800, s9, s10, $0x38;
	[tilespmem:$0x10600] =	vst v63  }
0xf5: {  	s22 =	rddreg [dreg:$0xa];
	s23 =	spop (v2sf)  }
0xf6: {  	(v2sf) =	vpush v2, $0x5;
	[tilespmem:s21], [sflag:$0x1] =	stream.strided.gather [hbm4b:s23+s10], $0x800, s9, s10, $0x38;
	[tilespmem:$0x10600] =	vst v63  }
0xf7: {  	s24 =	rddreg [dreg:$0xb];
	s25 =	spop (v2sf)  }
0xf8: {  	(v2sf) =	vpush v1, $0x5;
	[tilespmem:s22], [sflag:$0x1] =	stream.strided.gather [hbm4b:s25+s10], $0x800, s9, s10, $0x38;
	[tilespmem:$0x10600] =	vst v63  }
0xf9: {  	s26 =	rddreg [dreg:$0xc];
	s28 =	spop (v2sf)  }
0xfa: {  	(v2sf) =	vpush v2, $0x6;
	[tilespmem:s24], [sflag:$0x1] =	stream.strided.gather [hbm4b:s28+s10], $0x800, s9, s10, $0x38;
	[tilespmem:$0x10600] =	vst v63  }
0xfb: {  	s29 =	rddreg [dreg:$0xd];
	s30 =	spop (v2sf)  }
0xfc: {  	(v2sf) =	vpush v1, $0x6;
	[tilespmem:s26], [sflag:$0x1] =	stream.strided.gather [hbm4b:s30+s10], $0x800, s9, s10, $0x38;
	[tilespmem:$0x10600] =	vst v63  }
0xfd: {  	s31 =	rddreg [dreg:$0xe];
	s21 =	spop (v2sf)  }
0xfe: {  	(v2sf) =	vpush v2, $0x7;
	[tilespmem:s29], [sflag:$0x1] =	stream.strided.gather [hbm4b:s21+s10], $0x800, s9, s10, $0x38;
	[tilespmem:$0x10600] =	vst v63  }
0xff: {  	s22 =	rddreg [dreg:$0xf];
	s23 =	spop (v2sf)  }
0x100: {  	(v2sf) =	vpush v1, $0x7;
	[tilespmem:s31], [sflag:$0x1] =	stream.strided.gather [hbm4b:s23+s10], $0x800, s9, s10, $0x38;
	[tilespmem:$0x10600] =	vst v63  }
0x101: {  	s24 =	rddreg [dreg:$0x10];
	s25 =	spop (v2sf)  }
0x102: {  	(v2sf) =	vpush v2, $0x8;
	[tilespmem:s22], [sflag:$0x1] =	stream.strided.gather [hbm4b:s25+s10], $0x800, s9, s10, $0x38;
	[tilespmem:$0x10600] =	vst v63  }
0x103: {  	s26 =	rddreg [dreg:$0x11];
	s28 =	spop (v2sf)  }
0x104: {  	(v2sf) =	vpush v1, $0x8;
	[tilespmem:s24], [sflag:$0x1] =	stream.strided.gather [hbm4b:s28+s10], $0x800, s9, s10, $0x38;
	[tilespmem:$0x10600] =	vst v63  }
0x105: {  	s29 =	rddreg [dreg:$0x12];
	s30 =	spop (v2sf)  }
0x106: {  	(v2sf) =	vpush v2, $0x9;
	[tilespmem:s26], [sflag:$0x1] =	stream.strided.gather [hbm4b:s30+s10], $0x800, s9, s10, $0x38;
	[tilespmem:$0x10600] =	vst v63  }
0x107: {  	s31 =	rddreg [dreg:$0x13];
	s21 =	spop (v2sf)  }
0x108: {  	(v2sf) =	vpush v1, $0x9;
	[tilespmem:s29], [sflag:$0x1] =	stream.strided.gather [hbm4b:s21+s10], $0x800, s9, s10, $0x38;
	[tilespmem:$0x10600] =	vst v63  }
0x109: {  	s22 =	rddreg [dreg:$0x14];
	s23 =	spop (v2sf)  }
0x10a: {  	(v2sf) =	vpush v2, $0xA;
	[tilespmem:s31], [sflag:$0x1] =	stream.strided.gather [hbm4b:s23+s10], $0x800, s9, s10, $0x38;
	[tilespmem:$0x10600] =	vst v63  }
0x10b: {  	s24 =	rddreg [dreg:$0x15];
	s25 =	spop (v2sf)  }
0x10c: {  	(v2sf) =	vpush v1, $0xA;
	[tilespmem:s22], [sflag:$0x1] =	stream.strided.gather [hbm4b:s25+s10], $0x800, s9, s10, $0x38;
	[tilespmem:$0x10600] =	vst v63  }
0x10d: {  	s26 =	rddreg [dreg:$0x16];
	s28 =	spop (v2sf)  }
0x10e: {  	(v2sf) =	vpush v2, $0xB;
	[tilespmem:s24], [sflag:$0x1] =	stream.strided.gather [hbm4b:s28+s10], $0x800, s9, s10, $0x38;
	[tilespmem:$0x10600] =	vst v63  }
0x10f: {  	s29 =	rddreg [dreg:$0x17];
	s30 =	spop (v2sf)  }
0x110: {  	(v2sf) =	vpush v1, $0xB;
	[tilespmem:s26], [sflag:$0x1] =	stream.strided.gather [hbm4b:s30+s10], $0x800, s9, s10, $0x38;
	[tilespmem:$0x10600] =	vst v63  }
0x111: {  	s31 =	rddreg [dreg:$0x18];
	s21 =	spop (v2sf)  }
0x112: {  	(v2sf) =	vpush v2, $0xC;
	[tilespmem:s29], [sflag:$0x1] =	stream.strided.gather [hbm4b:s21+s10], $0x800, s9, s10, $0x38;
	[tilespmem:$0x10600] =	vst v63  }
0x113: {  	s22 =	rddreg [dreg:$0x19];
	s23 =	spop (v2sf)  }
0x114: {  	(v2sf) =	vpush v1, $0xC;
	[tilespmem:s31], [sflag:$0x1] =	stream.strided.gather [hbm4b:s23+s10], $0x800, s9, s10, $0x38;
	[tilespmem:$0x10600] =	vst v63  }
0x115: {  	s24 =	rddreg [dreg:$0x1a];
	s25 =	spop (v2sf)  }
0x116: {  	(v2sf) =	vpush v2, $0xD;
	[tilespmem:s22], [sflag:$0x1] =	stream.strided.gather [hbm4b:s25+s10], $0x800, s9, s10, $0x38;
	[tilespmem:$0x10600] =	vst v63  }
0x117: {  	s26 =	rddreg [dreg:$0x1b];
	s28 =	spop (v2sf)  }
0x118: {  	(v2sf) =	vpush v1, $0xD;
	[tilespmem:s24], [sflag:$0x1] =	stream.strided.gather [hbm4b:s28+s10], $0x800, s9, s10, $0x38;
	[tilespmem:$0x10600] =	vst v63  }
0x119: {  	s29 =	rddreg [dreg:$0x1c];
	s30 =	spop (v2sf)  }
0x11a: {  	(v2sf) =	vpush v2, $0xE;
	[tilespmem:s26], [sflag:$0x1] =	stream.strided.gather [hbm4b:s30+s10], $0x800, s9, s10, $0x38;
	[tilespmem:$0x10600] =	vst v63  }
0x11b: {  	s31 =	rddreg [dreg:$0x1d];
	s21 =	spop (v2sf)  }
0x11c: {  	(v2sf) =	vpush v1, $0xE;
	[tilespmem:s29], [sflag:$0x1] =	stream.strided.gather [hbm4b:s21+s10], $0x800, s9, s10, $0x38;
	[tilespmem:$0x10600] =	vst v63  }
0x11d: {  	s22 =	rddreg [dreg:$0x1e];
	s23 =	spop (v2sf)  }
0x11e: {  	(v2sf) =	vpush v2, $0xF;
	[tilespmem:s31], [sflag:$0x1] =	stream.strided.gather [hbm4b:s23+s10], $0x800, s9, s10, $0x38;
	[tilespmem:$0x10600] =	vst v63  }
0x11f: {  	s25 =	spop (v2sf);
	s24 =	rddreg [dreg:$0x1f]  }
0x120: {  	(v2sf) =	vpush v1, $0xF;
	[tilespmem:s22], [sflag:$0x1] =	stream.strided.gather [hbm4b:s25+s10], $0x800, s9, s10, $0x38;
	[tilespmem:$0x10600] =	vst v63  }
0x121: {  	s26 =	sld [smem:$0x7F7];
	s28 =	spop (v2sf)  }
0x122: {  	[tilespmem:s24], [sflag:$0x1] =	stream.strided.gather [hbm4b:s28+s10], $0x800, s9, s10, $0x38;
	[tilespmem:$0x10600] =	vst v63  }
0x123: {  	s29 =	sld [smem:$0x7F8];
	s30 =	spop (v2sf)  }
0x124: {  	[tilespmem:s26], [sflag:$0x1] =	stream.strided.gather [hbm4b:s30+s10], $0x800, s9, s10, $0x38;
	[tilespmem:$0x10600] =	vst v63  }
0x125: {  	s31 =	sld [smem:$0x7F9];
	s21 =	spop (v2sf)  }
0x126: {  	[tilespmem:s29], [sflag:$0x1] =	stream.strided.gather [hbm4b:s21+s10], $0x800, s9, s10, $0x38;
	[tilespmem:$0x10600] =	vst v63  }
0x127: {  	s22 =	sld [smem:$0x7FA];
	s23 =	spop (v2sf)  }
0x128: {  	[tilespmem:s31], [sflag:$0x1] =	stream.strided.gather [hbm4b:s23+s10], $0x800, s9, s10, $0x38;
	[tilespmem:$0x10600] =	vst v63  }
0x129: {  	s24 =	sld [smem:$0x7FB];
	s25 =	spop (v2sf)  }
0x12a: {  	[tilespmem:s22], [sflag:$0x1] =	stream.strided.gather [hbm4b:s25+s10], $0x800, s9, s10, $0x38;
	[tilespmem:$0x10600] =	vst v63  }
0x12b: {  	s26 =	sld [smem:$0x7FC];
	s28 =	spop (v2sf)  }
0x12c: {  	[tilespmem:s24], [sflag:$0x1] =	stream.strided.gather [hbm4b:s28+s10], $0x800, s9, s10, $0x38;
	[tilespmem:$0x10600] =	vst v63  }
0x12d: {  	s30 =	spop (v2sf);
	s29 =	sld [smem:$0x7FD]  }
0x12e: {  	[tilespmem:s26], [sflag:$0x1] =	stream.strided.gather [hbm4b:s30+s10], $0x800, s9, s10, $0x38;
	[tilespmem:$0x10600] =	vst v63  }
0x12f: {  	s31 =	spop (v2sf)  }
0x130: {  	[tilespmem:s29], [sflag:$0x1] =	stream.strided.gather [hbm4b:s31+s10], $0x800, s9, s10, $0x38;
	[tilespmem:$0x10600] =	vst v63  }
0x131: {  	_ =	swait.ge [sflag:s11], $0x800  }
0x132: {  	[sflag:s11] =	ssyncset.done $0x0  }
0x133: {  	[sflag:s11] =	ssyncadd.s32 $0xFFFFF800  }
0x134: {  	_ =	swait.ge [sflag:s11], $0x800  }
0x135: {  	[sflag:s11] =	ssyncset.done $0x0  }
0x136: {  	[sflag:s11] =	ssyncadd.s32 $0xFFFFF800  }
0x137: {  	_ =	swait.ge [sflag:s11], $0x800  }
0x138: {  	[sflag:s11] =	ssyncset.done $0x0  }
0x139: {  	[sflag:s11] =	ssyncadd.s32 $0xFFFFF800  }
0x13a: {  	_ =	swait.ge [sflag:s11], $0x800  }
0x13b: {  	[sflag:s11] =	ssyncset.done $0x0  }
0x13c: {  	[sflag:s11] =	ssyncadd.s32 $0xFFFFF800  }
0x13d: {  	_ =	swait.ge [sflag:s11], $0x800  }
0x13e: {  	[sflag:s11] =	ssyncset.done $0x0  }
0x13f: {  	[sflag:s11] =	ssyncadd.s32 $0xFFFFF800  }
0x140: {  	_ =	swait.ge [sflag:s11], $0x800  }
0x141: {  	[sflag:s11] =	ssyncset.done $0x0  }
0x142: {  	[sflag:s11] =	ssyncadd.s32 $0xFFFFF800  }
0x143: {  	_ =	swait.ge [sflag:s11], $0x800  }
0x144: {  	[sflag:s11] =	ssyncset.done $0x0  }
0x145: {  	[sflag:s11] =	ssyncadd.s32 $0xFFFFF800  }
0x146: {  	_ =	swait.ge [sflag:s11], $0x800  }
0x147: {  	[sflag:s11] =	ssyncset.done $0x0  }
0x148: {  	[sflag:s11] =	ssyncadd.s32 $0xFFFFF800  }
0x149: {  	_ =	swait.ge [sflag:s11], $0x800  }
0x14a: {  	[sflag:s11] =	ssyncset.done $0x0  }
0x14b: {  	[sflag:s11] =	ssyncadd.s32 $0xFFFFF800  }
0x14c: {  	_ =	swait.ge [sflag:s11], $0x800  }
0x14d: {  	[sflag:s11] =	ssyncset.done $0x0  }
0x14e: {  	[sflag:s11] =	ssyncadd.s32 $0xFFFFF800  }
0x14f: {  	_ =	swait.ge [sflag:s11], $0x800  }
0x150: {  	[sflag:s11] =	ssyncset.done $0x0  }
0x151: {  	[sflag:s11] =	ssyncadd.s32 $0xFFFFF800  }
0x152: {  	_ =	swait.ge [sflag:s11], $0x800  }
0x153: {  	[sflag:s11] =	ssyncset.done $0x0  }
0x154: {  	[sflag:s11] =	ssyncadd.s32 $0xFFFFF800  }
0x155: {  	_ =	swait.ge [sflag:s11], $0x800  }
0x156: {  	[sflag:s11] =	ssyncset.done $0x0  }
0x157: {  	[sflag:s11] =	ssyncadd.s32 $0xFFFFF800  }
0x158: {  	_ =	swait.ge [sflag:s11], $0x800  }
0x159: {  	[sflag:s11] =	ssyncset.done $0x0  }
0x15a: {  	[sflag:s11] =	ssyncadd.s32 $0xFFFFF800  }
0x15b: {  	_ =	swait.ge [sflag:s11], $0x800  }
0x15c: {  	[sflag:s11] =	ssyncset.done $0x0  }
0x15d: {  	[sflag:s11] =	ssyncadd.s32 $0xFFFFF800  }
0x15e: {  	_ =	swait.ge [sflag:s11], $0x800  }
0x15f: {  	[sflag:s11] =	ssyncset.done $0x0  }
0x160: {  	[sflag:s11] =	ssyncadd.s32 $0xFFFFF800  }
0x161: {  	_ =	swait.ge [sflag:s11], $0x800  }
0x162: {  	[sflag:s11] =	ssyncset.done $0x0  }
0x163: {  	[sflag:s11] =	ssyncadd.s32 $0xFFFFF800  }
0x164: {  	_ =	swait.ge [sflag:s11], $0x800  }
0x165: {  	[sflag:s11] =	ssyncset.done $0x0  }
0x166: {  	[sflag:s11] =	ssyncadd.s32 $0xFFFFF800  }
0x167: {  	_ =	swait.ge [sflag:s11], $0x800  }
0x168: {  	[sflag:s11] =	ssyncset.done $0x0  }
0x169: {  	[sflag:s11] =	ssyncadd.s32 $0xFFFFF800  }
0x16a: {  	_ =	swait.ge [sflag:s11], $0x800  }
0x16b: {  	[sflag:s11] =	ssyncset.done $0x0  }
0x16c: {  	[sflag:s11] =	ssyncadd.s32 $0xFFFFF800  }
0x16d: {  	_ =	swait.ge [sflag:s11], $0x800  }
0x16e: {  	[sflag:s11] =	ssyncset.done $0x0  }
0x16f: {  	[sflag:s11] =	ssyncadd.s32 $0xFFFFF800  }
0x170: {  	_ =	swait.ge [sflag:s11], $0x800  }
0x171: {  	[sflag:s11] =	ssyncset.done $0x0  }
0x172: {  	[sflag:s11] =	ssyncadd.s32 $0xFFFFF800  }
0x173: {  	_ =	swait.ge [sflag:s11], $0x800  }
0x174: {  	[sflag:s11] =	ssyncset.done $0x0  }
0x175: {  	[sflag:s11] =	ssyncadd.s32 $0xFFFFF800  }
0x176: {  	_ =	swait.ge [sflag:s11], $0x800  }
0x177: {  	[sflag:s11] =	ssyncset.done $0x0  }
0x178: {  	[sflag:s11] =	ssyncadd.s32 $0xFFFFF800  }
0x179: {  	_ =	swait.ge [sflag:s11], $0x800  }
0x17a: {  	[sflag:s11] =	ssyncset.done $0x0  }
0x17b: {  	[sflag:s11] =	ssyncadd.s32 $0xFFFFF800  }
0x17c: {  	_ =	swait.ge [sflag:s11], $0x800  }
0x17d: {  	[sflag:s11] =	ssyncset.done $0x0  }
0x17e: {  	[sflag:s11] =	ssyncadd.s32 $0xFFFFF800  }
0x17f: {  	_ =	swait.ge [sflag:s11], $0x800  }
0x180: {  	[sflag:s11] =	ssyncset.done $0x0  }
0x181: {  	[sflag:s11] =	ssyncadd.s32 $0xFFFFF800  }
0x182: {  	_ =	swait.ge [sflag:s11], $0x800  }
0x183: {  	[sflag:s11] =	ssyncset.done $0x0  }
0x184: {  	[sflag:s11] =	ssyncadd.s32 $0xFFFFF800  }
0x185: {  	_ =	swait.ge [sflag:s11], $0x800  }
0x186: {  	[sflag:s11] =	ssyncset.done $0x0  }
0x187: {  	[sflag:s11] =	ssyncadd.s32 $0xFFFFF800  }
0x188: {  	_ =	swait.ge [sflag:s11], $0x800  }
0x189: {  	[sflag:s11] =	ssyncset.done $0x0  }
0x18a: {  	[sflag:s11] =	ssyncadd.s32 $0xFFFFF800  }
0x18b: {  	p0 =	sne.s32 s16, $0x7C0;
	_ =	swait.ge [sflag:s11], $0x800  }
.Ltmp0:
0x18c: {  	[sflag:s11] =	ssyncset.done $0x0;
	(pc) =	sbr.rel @p0 .LBB2_2-.Ltmp0, $4  }
0x18d: {  	[sflag:s11] =	ssyncadd.s32 $0xFFFFF800  }
0x18e: {  	_ =	swait.ge [sflag:s11], $0x800  }
0x18f: {  	s17 =	smov.u32 s16;
	[sflag:s11] =	ssyncset.done $0x0  }
0x190: {  	s16 =	sadd.s32 $0x40, s16;
	s18 =	sshra.s32 s17, $0x2;
	v0 =	vcvt.s32.f32 v0;
	[sflag:s11] =	ssyncadd.s32 $0xFFFFF800  }
0x191: {  	v1 =	vld [tilespmem:s18+$0x0]  }
0x192: {  	[tilespmem:s15+$0x10400] =	vst v0  }
0x193: {  	v2 =	vld [tilespmem:s18+$0x200];
	_ =	sdelay $0x2  }
0x194: {  	s30 =	rddreg [dreg:$0x6];
	v63 =	vand.u32 $0xFFFFFF80, v1  }
0x195: {  	v1 =	vadd.s32 s30, v63  }
0x196: {  	s16 =	rddreg [dreg:$0x7];
	v2 =	vand.u32 $0xFFFFFF80, v2;
	(v2sf) =	vpush v1, $0x0  }
0x197: {  	v2 =	vadd.s32 s16, v2  }
0x198: {  	(v2sf) =	vpush v2, $0x0;
	_ =	sdelay $0x1  }
0x199: {  	(v2sf) =	vpush v1, $0x1;
	_ =	sdelay $0x1  }
0x19a: {  	(v2sf) =	vpush v2, $0x1;
	_ =	sdelay $0x1  }
0x19b: {  	(v2sf) =	vpush v1, $0x2;
	_ =	sdelay $0x1  }
0x19c: {  	(v2sf) =	vpush v2, $0x2;
	_ =	sdelay $0x1  }
0x19d: {  	(v2sf) =	vpush v1, $0x3;
	_ =	sdelay $0x1  }
0x19e: {  	(v2sf) =	vpush v2, $0x3  }
0x19f: {  	s31 =	rddreg [dreg:$0x8];
	s17 =	spop (v2sf)  }
0x1a0: {  	(v2sf) =	vpush v1, $0x4;
	[tilespmem:s10], [sflag:$0x1] =	stream.strided.gather [hbm4b:s17+s10], $0x800, s9, s10, $0x38;
	[tilespmem:$0x10600] =	vst v63  }
0x1a1: {  	s19 =	rddreg [dreg:$0x9];
	s17 =	spop (v2sf)  }
0x1a2: {  	(v2sf) =	vpush v2, $0x4;
	[tilespmem:s31], [sflag:$0x1] =	stream.strided.gather [hbm4b:s17+s10], $0x800, s9, s10, $0x38;
	[tilespmem:$0x10600] =	vst v63  }
0x1a3: {  	s20 =	rddreg [dreg:$0xa];
	s21 =	spop (v2sf)  }
0x1a4: {  	(v2sf) =	vpush v1, $0x5;
	[tilespmem:s19], [sflag:$0x1] =	stream.strided.gather [hbm4b:s21+s10], $0x800, s9, s10, $0x38;
	[tilespmem:$0x10600] =	vst v63  }
0x1a5: {  	s22 =	rddreg [dreg:$0xb];
	s23 =	spop (v2sf)  }
0x1a6: {  	(v2sf) =	vpush v2, $0x5;
	[tilespmem:s20], [sflag:$0x1] =	stream.strided.gather [hbm4b:s23+s10], $0x800, s9, s10, $0x38;
	[tilespmem:$0x10600] =	vst v63  }
0x1a7: {  	s24 =	rddreg [dreg:$0xc];
	s25 =	spop (v2sf)  }
0x1a8: {  	(v2sf) =	vpush v1, $0x6;
	[tilespmem:s22], [sflag:$0x1] =	stream.strided.gather [hbm4b:s25+s10], $0x800, s9, s10, $0x38;
	[tilespmem:$0x10600] =	vst v63  }
0x1a9: {  	s26 =	rddreg [dreg:$0xd];
	s28 =	spop (v2sf)  }
0x1aa: {  	(v2sf) =	vpush v2, $0x6;
	[tilespmem:s24], [sflag:$0x1] =	stream.strided.gather [hbm4b:s28+s10], $0x800, s9, s10, $0x38;
	[tilespmem:$0x10600] =	vst v63  }
0x1ab: {  	s29 =	rddreg [dreg:$0xe];
	s30 =	spop (v2sf)  }
0x1ac: {  	(v2sf) =	vpush v1, $0x7;
	[tilespmem:s26], [sflag:$0x1] =	stream.strided.gather [hbm4b:s30+s10], $0x800, s9, s10, $0x38;
	[tilespmem:$0x10600] =	vst v63  }
0x1ad: {  	s31 =	rddreg [dreg:$0xf];
	s19 =	spop (v2sf)  }
0x1ae: {  	(v2sf) =	vpush v2, $0x7;
	[tilespmem:s29], [sflag:$0x1] =	stream.strided.gather [hbm4b:s19+s10], $0x800, s9, s10, $0x38;
	[tilespmem:$0x10600] =	vst v63  }
0x1af: {  	s20 =	rddreg [dreg:$0x10];
	s21 =	spop (v2sf)  }
0x1b0: {  	(v2sf) =	vpush v1, $0x8;
	[tilespmem:s31], [sflag:$0x1] =	stream.strided.gather [hbm4b:s21+s10], $0x800, s9, s10, $0x38;
	[tilespmem:$0x10600] =	vst v63  }
0x1b1: {  	s22 =	rddreg [dreg:$0x11];
	s23 =	spop (v2sf)  }
0x1b2: {  	(v2sf) =	vpush v2, $0x8;
	[tilespmem:s20], [sflag:$0x1] =	stream.strided.gather [hbm4b:s23+s10], $0x800, s9, s10, $0x38;
	[tilespmem:$0x10600] =	vst v63  }
0x1b3: {  	s24 =	rddreg [dreg:$0x12];
	s25 =	spop (v2sf)  }
0x1b4: {  	(v2sf) =	vpush v1, $0x9;
	[tilespmem:s22], [sflag:$0x1] =	stream.strided.gather [hbm4b:s25+s10], $0x800, s9, s10, $0x38;
	[tilespmem:$0x10600] =	vst v63  }
0x1b5: {  	s26 =	rddreg [dreg:$0x13];
	s28 =	spop (v2sf)  }
0x1b6: {  	(v2sf) =	vpush v2, $0x9;
	[tilespmem:s24], [sflag:$0x1] =	stream.strided.gather [hbm4b:s28+s10], $0x800, s9, s10, $0x38;
	[tilespmem:$0x10600] =	vst v63  }
0x1b7: {  	s29 =	rddreg [dreg:$0x14];
	s30 =	spop (v2sf)  }
0x1b8: {  	(v2sf) =	vpush v1, $0xA;
	[tilespmem:s26], [sflag:$0x1] =	stream.strided.gather [hbm4b:s30+s10], $0x800, s9, s10, $0x38;
	[tilespmem:$0x10600] =	vst v63  }
0x1b9: {  	s31 =	rddreg [dreg:$0x15];
	s19 =	spop (v2sf)  }
0x1ba: {  	(v2sf) =	vpush v2, $0xA;
	[tilespmem:s29], [sflag:$0x1] =	stream.strided.gather [hbm4b:s19+s10], $0x800, s9, s10, $0x38;
	[tilespmem:$0x10600] =	vst v63  }
0x1bb: {  	s20 =	rddreg [dreg:$0x16];
	s21 =	spop (v2sf)  }
0x1bc: {  	(v2sf) =	vpush v1, $0xB;
	[tilespmem:s31], [sflag:$0x1] =	stream.strided.gather [hbm4b:s21+s10], $0x800, s9, s10, $0x38;
	[tilespmem:$0x10600] =	vst v63  }
0x1bd: {  	s22 =	rddreg [dreg:$0x17];
	s23 =	spop (v2sf)  }
0x1be: {  	(v2sf) =	vpush v2, $0xB;
	[tilespmem:s20], [sflag:$0x1] =	stream.strided.gather [hbm4b:s23+s10], $0x800, s9, s10, $0x38;
	[tilespmem:$0x10600] =	vst v63  }
0x1bf: {  	s24 =	rddreg [dreg:$0x18];
	s25 =	spop (v2sf)  }
0x1c0: {  	(v2sf) =	vpush v1, $0xC;
	[tilespmem:s22], [sflag:$0x1] =	stream.strided.gather [hbm4b:s25+s10], $0x800, s9, s10, $0x38;
	[tilespmem:$0x10600] =	vst v63  }
0x1c1: {  	s26 =	rddreg [dreg:$0x19];
	s28 =	spop (v2sf)  }
0x1c2: {  	(v2sf) =	vpush v2, $0xC;
	[tilespmem:s24], [sflag:$0x1] =	stream.strided.gather [hbm4b:s28+s10], $0x800, s9, s10, $0x38;
	[tilespmem:$0x10600] =	vst v63  }
0x1c3: {  	s29 =	rddreg [dreg:$0x1a];
	s30 =	spop (v2sf)  }
0x1c4: {  	(v2sf) =	vpush v1, $0xD;
	[tilespmem:s26], [sflag:$0x1] =	stream.strided.gather [hbm4b:s30+s10], $0x800, s9, s10, $0x38;
	[tilespmem:$0x10600] =	vst v63  }
0x1c5: {  	s31 =	rddreg [dreg:$0x1b];
	s19 =	spop (v2sf)  }
0x1c6: {  	(v2sf) =	vpush v2, $0xD;
	[tilespmem:s29], [sflag:$0x1] =	stream.strided.gather [hbm4b:s19+s10], $0x800, s9, s10, $0x38;
	[tilespmem:$0x10600] =	vst v63  }
0x1c7: {  	s20 =	rddreg [dreg:$0x1c];
	s21 =	spop (v2sf)  }
0x1c8: {  	(v2sf) =	vpush v1, $0xE;
	[tilespmem:s31], [sflag:$0x1] =	stream.strided.gather [hbm4b:s21+s10], $0x800, s9, s10, $0x38;
	[tilespmem:$0x10600] =	vst v63  }
0x1c9: {  	s22 =	rddreg [dreg:$0x1d];
	s23 =	spop (v2sf)  }
0x1ca: {  	(v2sf) =	vpush v2, $0xE;
	[tilespmem:s20], [sflag:$0x1] =	stream.strided.gather [hbm4b:s23+s10], $0x800, s9, s10, $0x38;
	[tilespmem:$0x10600] =	vst v63  }
0x1cb: {  	s24 =	rddreg [dreg:$0x1e];
	s25 =	spop (v2sf)  }
0x1cc: {  	(v2sf) =	vpush v1, $0xF;
	[tilespmem:s22], [sflag:$0x1] =	stream.strided.gather [hbm4b:s25+s10], $0x800, s9, s10, $0x38;
	[tilespmem:$0x10600] =	vst v63  }
0x1cd: {  	s26 =	rddreg [dreg:$0x1f];
	s28 =	spop (v2sf)  }
0x1ce: {  	(v2sf) =	vpush v2, $0xF;
	[tilespmem:s24], [sflag:$0x1] =	stream.strided.gather [hbm4b:s28+s10], $0x800, s9, s10, $0x38;
	[tilespmem:$0x10600] =	vst v63  }
0x1cf: {  	s29 =	sld [smem:$0x7F7];
	s30 =	spop (v2sf)  }
0x1d0: {  	[tilespmem:s26], [sflag:$0x1] =	stream.strided.gather [hbm4b:s30+s10], $0x800, s9, s10, $0x38;
	[tilespmem:$0x10600] =	vst v63  }
0x1d1: {  	s31 =	sld [smem:$0x7F8];
	s19 =	spop (v2sf)  }
0x1d2: {  	[tilespmem:s29], [sflag:$0x1] =	stream.strided.gather [hbm4b:s19+s10], $0x800, s9, s10, $0x38;
	[tilespmem:$0x10600] =	vst v63  }
0x1d3: {  	s20 =	sld [smem:$0x7F9];
	s21 =	spop (v2sf)  }
0x1d4: {  	[tilespmem:s31], [sflag:$0x1] =	stream.strided.gather [hbm4b:s21+s10], $0x800, s9, s10, $0x38;
	[tilespmem:$0x10600] =	vst v63  }
0x1d5: {  	s22 =	sld [smem:$0x7FA];
	s23 =	spop (v2sf)  }
0x1d6: {  	[tilespmem:s20], [sflag:$0x1] =	stream.strided.gather [hbm4b:s23+s10], $0x800, s9, s10, $0x38;
	[tilespmem:$0x10600] =	vst v63  }
0x1d7: {  	s24 =	sld [smem:$0x7FB];
	s25 =	spop (v2sf)  }
0x1d8: {  	[tilespmem:s22], [sflag:$0x1] =	stream.strided.gather [hbm4b:s25+s10], $0x800, s9, s10, $0x38;
	[tilespmem:$0x10600] =	vst v63  }
0x1d9: {  	s26 =	sld [smem:$0x7FC];
	s28 =	spop (v2sf)  }
0x1da: {  	[tilespmem:s24], [sflag:$0x1] =	stream.strided.gather [hbm4b:s28+s10], $0x800, s9, s10, $0x38;
	[tilespmem:$0x10600] =	vst v63  }
0x1db: {  	s29 =	sld [smem:$0x7FD];
	s30 =	spop (v2sf)  }
0x1dc: {  	[tilespmem:s26], [sflag:$0x1] =	stream.strided.gather [hbm4b:s30+s10], $0x800, s9, s10, $0x38;
	[tilespmem:$0x10600] =	vst v63  }
0x1dd: {  	s31 =	spop (v2sf)  }
0x1de: {  	[tilespmem:s29], [sflag:$0x1] =	stream.strided.gather [hbm4b:s31+s10], $0x800, s9, s10, $0x38;
	[tilespmem:$0x10600] =	vst v63  }
0x1df: {  	_ =	swait.ge [sflag:s11], $0x800  }
0x1e0: {  	[sflag:s11] =	ssyncset.done $0x0  }
0x1e1: {  	[sflag:s11] =	ssyncadd.s32 $0xFFFFF800  }
0x1e2: {  	_ =	swait.ge [sflag:s11], $0x800  }
0x1e3: {  	[sflag:s11] =	ssyncset.done $0x0  }
0x1e4: {  	[sflag:s11] =	ssyncadd.s32 $0xFFFFF800  }
0x1e5: {  	_ =	swait.ge [sflag:s11], $0x800  }
0x1e6: {  	[sflag:s11] =	ssyncset.done $0x0  }
0x1e7: {  	[sflag:s11] =	ssyncadd.s32 $0xFFFFF800  }
0x1e8: {  	_ =	swait.ge [sflag:s11], $0x800  }
0x1e9: {  	[sflag:s11] =	ssyncset.done $0x0  }
0x1ea: {  	[sflag:s11] =	ssyncadd.s32 $0xFFFFF800  }
0x1eb: {  	_ =	swait.ge [sflag:s11], $0x800  }
0x1ec: {  	[sflag:s11] =	ssyncset.done $0x0  }
0x1ed: {  	[sflag:s11] =	ssyncadd.s32 $0xFFFFF800  }
0x1ee: {  	_ =	swait.ge [sflag:s11], $0x800  }
0x1ef: {  	[sflag:s11] =	ssyncset.done $0x0  }
0x1f0: {  	[sflag:s11] =	ssyncadd.s32 $0xFFFFF800  }
0x1f1: {  	_ =	swait.ge [sflag:s11], $0x800  }
0x1f2: {  	[sflag:s11] =	ssyncset.done $0x0  }
0x1f3: {  	[sflag:s11] =	ssyncadd.s32 $0xFFFFF800  }
0x1f4: {  	_ =	swait.ge [sflag:s11], $0x800  }
0x1f5: {  	[sflag:s11] =	ssyncset.done $0x0  }
0x1f6: {  	[sflag:s11] =	ssyncadd.s32 $0xFFFFF800  }
0x1f7: {  	_ =	swait.ge [sflag:s11], $0x800  }
0x1f8: {  	[sflag:s11] =	ssyncset.done $0x0  }
0x1f9: {  	[sflag:s11] =	ssyncadd.s32 $0xFFFFF800  }
0x1fa: {  	_ =	swait.ge [sflag:s11], $0x800  }
0x1fb: {  	[sflag:s11] =	ssyncset.done $0x0  }
0x1fc: {  	[sflag:s11] =	ssyncadd.s32 $0xFFFFF800  }
0x1fd: {  	_ =	swait.ge [sflag:s11], $0x800  }
0x1fe: {  	[sflag:s11] =	ssyncset.done $0x0  }
0x1ff: {  	[sflag:s11] =	ssyncadd.s32 $0xFFFFF800  }
0x200: {  	_ =	swait.ge [sflag:s11], $0x800  }
0x201: {  	[sflag:s11] =	ssyncset.done $0x0  }
0x202: {  	[sflag:s11] =	ssyncadd.s32 $0xFFFFF800  }
0x203: {  	_ =	swait.ge [sflag:s11], $0x800  }
0x204: {  	[sflag:s11] =	ssyncset.done $0x0  }
0x205: {  	[sflag:s11] =	ssyncadd.s32 $0xFFFFF800  }
0x206: {  	_ =	swait.ge [sflag:s11], $0x800  }
0x207: {  	[sflag:s11] =	ssyncset.done $0x0  }
0x208: {  	[sflag:s11] =	ssyncadd.s32 $0xFFFFF800  }
0x209: {  	_ =	swait.ge [sflag:s11], $0x800  }
0x20a: {  	[sflag:s11] =	ssyncset.done $0x0  }
0x20b: {  	[sflag:s11] =	ssyncadd.s32 $0xFFFFF800  }
0x20c: {  	_ =	swait.ge [sflag:s11], $0x800  }
0x20d: {  	[sflag:s11] =	ssyncset.done $0x0  }
0x20e: {  	[sflag:s11] =	ssyncadd.s32 $0xFFFFF800  }
0x20f: {  	_ =	swait.ge [sflag:s11], $0x800  }
0x210: {  	[sflag:s11] =	ssyncset.done $0x0  }
0x211: {  	[sflag:s11] =	ssyncadd.s32 $0xFFFFF800  }
0x212: {  	_ =	swait.ge [sflag:s11], $0x800  }
0x213: {  	[sflag:s11] =	ssyncset.done $0x0  }
0x214: {  	[sflag:s11] =	ssyncadd.s32 $0xFFFFF800  }
0x215: {  	_ =	swait.ge [sflag:s11], $0x800  }
0x216: {  	[sflag:s11] =	ssyncset.done $0x0  }
0x217: {  	[sflag:s11] =	ssyncadd.s32 $0xFFFFF800  }
0x218: {  	_ =	swait.ge [sflag:s11], $0x800  }
0x219: {  	[sflag:s11] =	ssyncset.done $0x0  }
0x21a: {  	[sflag:s11] =	ssyncadd.s32 $0xFFFFF800  }
0x21b: {  	_ =	swait.ge [sflag:s11], $0x800  }
0x21c: {  	[sflag:s11] =	ssyncset.done $0x0  }
0x21d: {  	[sflag:s11] =	ssyncadd.s32 $0xFFFFF800  }
0x21e: {  	_ =	swait.ge [sflag:s11], $0x800  }
0x21f: {  	[sflag:s11] =	ssyncset.done $0x0  }
0x220: {  	[sflag:s11] =	ssyncadd.s32 $0xFFFFF800  }
0x221: {  	_ =	swait.ge [sflag:s11], $0x800  }
0x222: {  	[sflag:s11] =	ssyncset.done $0x0  }
0x223: {  	[sflag:s11] =	ssyncadd.s32 $0xFFFFF800  }
0x224: {  	_ =	swait.ge [sflag:s11], $0x800  }
0x225: {  	[sflag:s11] =	ssyncset.done $0x0  }
0x226: {  	[sflag:s11] =	ssyncadd.s32 $0xFFFFF800  }
0x227: {  	_ =	swait.ge [sflag:s11], $0x800  }
0x228: {  	[sflag:s11] =	ssyncset.done $0x0  }
0x229: {  	[sflag:s11] =	ssyncadd.s32 $0xFFFFF800  }
0x22a: {  	_ =	swait.ge [sflag:s11], $0x800  }
0x22b: {  	[sflag:s11] =	ssyncset.done $0x0  }
0x22c: {  	[sflag:s11] =	ssyncadd.s32 $0xFFFFF800  }
0x22d: {  	_ =	swait.ge [sflag:s11], $0x800  }
0x22e: {  	[sflag:s11] =	ssyncset.done $0x0  }
0x22f: {  	[sflag:s11] =	ssyncadd.s32 $0xFFFFF800  }
0x230: {  	_ =	swait.ge [sflag:s11], $0x800  }
0x231: {  	[sflag:s11] =	ssyncset.done $0x0  }
0x232: {  	[sflag:s11] =	ssyncadd.s32 $0xFFFFF800  }
0x233: {  	_ =	swait.ge [sflag:s11], $0x800  }
0x234: {  	[sflag:s11] =	ssyncset.done $0x0  }
0x235: {  	[sflag:s11] =	ssyncadd.s32 $0xFFFFF800  }
0x236: {  	_ =	swait.ge [sflag:s11], $0x800  }
0x237: {  	[sflag:s11] =	ssyncset.done $0x0  }
0x238: {  	[sflag:s11] =	ssyncadd.s32 $0xFFFFF800  }
0x239: {  	_ =	swait.ge [sflag:s11], $0x800  }
0x23a: {  	[sflag:s11] =	ssyncset.done $0x0  }
0x23b: {  	[sflag:s11] =	ssyncadd.s32 $0xFFFFF800  }
0x23c: {  	_ =	swait.ge [sflag:s11], $0x800  }
0x23d: {  	s14 =	sadd.s32 $0x1, s14;
	v0 =	vcvt.s32.f32 v63;
	[sflag:s11] =	ssyncset.done $0x0  }
0x23e: {  	p0 =	sne.s32 s14, s6;
	[sflag:s11] =	ssyncadd.s32 $0xFFFFF800  }
.Ltmp1:
0x23f: {  	[tilespmem:s18+$0x10400] =	vst v0;
	(pc) =	sbr.rel @p0 .LBB2_1-.Ltmp1, $4  }
0x240: {  	[hbm4b:s5+s1] =	stream.linear.scatter [tilespmem:s12], [sflag:$0x3], $0x200, $0x38;
	[tilespmem:$0x10600] =	vst v63  }
0x241: {  	_ =	swait.ge [sflag:s13], $0x200  }
0x242: {  	[sflag:s13] =	ssyncset.done $0x0  }
0x243: {  	[sflag:s13] =	ssyncadd.s32 $0xFFFFFE00  }
0x244: {  	_ =	sfence.sel $0x180000  }
0x245: {  	[bflag:$0x0] =	sbarrier.arrive $0xFFFF  }
0x246: {  	p0 =	sne.s32 s2, $0x0;
	_ =	strace $0x90000047  }
0x247: {  	s0 =	sadd.s32 @!p0 $0x100000, s0;
	[bflag:$0x2] =	sbarrier.arrive $0xFFFF  }
0x248: {  	[sflag:s0] =	ssyncadd.tile.s32 @!p0 $0x1;
	_ =	shalt  }
.Lfunc_end2:
_tile_overlayer_lowered:
.L_overlay_start_2:
0x249: {  	(tag) =	ssettag $0x2  }
0x24a: {  	s0 =	rddreg [dreg:$0x0];
	s2 =	stileid.u32  }
0x24b: {  	s1 =	rddreg [dreg:$0x1];
	p0 =	sne.s32 s2, $0x0  }
0x24c: {  	s3 =	rddreg [dreg:$0x2];
	[bflag:$0x3] =	sbarrier.arrive $0xFFFF;
	s2 =	simm.s32 @!p0 $0x1C03  }
0x24d: {  	[timem:s3], [sflag:s2] =	dma.local @!p0 [hbm:s0], s1  }
0x24e: {  	s0 =	simm.s32 @!p0 $0x3  }
0x24f: {  	_ =	swait.ge @!p0 [sflag:s0], s1  }
0x250: {  	s1 =	ssub.s32 @!p0 $0x0, s1;
	[sflag:s0] =	ssyncset.done @!p0 $0x0  }
0x251: {  	[sflag:s0] =	ssyncadd.s32 @!p0 s1  }
0x252: {  	[bflag:$0x3] =	sbarrier.arrive $0xFFFF  }
0x253: {  	_ =	shalt  }

</sc_bundles>
